<compile_context>
chip_gen: v7x
topology: tpu7x:2x2x1
jax: 0.10.2.dev20260603
libtpu: 0.0.44.dev20260713+nightly
codegen_flags: <defaults>
</compile_context>

<pallas_src>
import jax
import jax.numpy as jnp
from jax import lax
from jax.experimental import pallas as pl
from jax.experimental.pallas import tpu as pltpu
from jax.experimental.pallas import tpu_sc as plsc
import functools

NUM_ENT = 1000000
NUM_REL = 1000
D = 64
MARGIN = 12.0
BATCH = 4096
ERANGE = (MARGIN + 2.0) / D
PI = 3.141592653589793
PHASE_SCALE = PI / ERANGE

NC, NS, L = 2, 16, 16
NW = NC * NS
BPW = BATCH // NW

_SIN_C = (0.9994501730582466, -0.16583842947680993, 0.007998575320167352,
          -0.00014774043807849746)
_COS_C = (0.9999710932183866, -0.49983759608552286, 0.04152230455014086,
          -0.0013441068677407103, 1.906521608691092e-05)


def _sincos(ph):
    x2 = ph * ph
    s = _SIN_C[-1]
    for c in _SIN_C[-2::-1]:
        s = s * x2 + c
    s = s * ph
    c_ = _COS_C[-1]
    for c in _COS_C[-2::-1]:
        c_ = c_ * x2 + c
    return s, c_


_sc_mesh = plsc.VectorSubcoreMesh(core_axis_name="c", subcore_axis_name="s")


@functools.partial(
    pl.kernel,
    out_type=jax.ShapeDtypeStruct((BATCH,), jnp.float32),
    mesh=_sc_mesh,
    compiler_params=pltpu.CompilerParams(needs_layout_passes=False,
                                         use_tc_tiling_on_sc=False),
    scratch_types=[
        pltpu.VMEM((BPW,), jnp.int32),
        pltpu.VMEM((BPW,), jnp.int32),
        pltpu.VMEM((BPW,), jnp.int32),
        pltpu.VMEM((BPW, 2 * D), jnp.float32),
        pltpu.VMEM((BPW, 2 * D), jnp.float32),
        pltpu.VMEM((BPW, D), jnp.float32),
        pltpu.VMEM((BPW + L,), jnp.float32),
        pltpu.SemaphoreType.DMA,
        pltpu.SemaphoreType.DMA,
    ],
)
def _sc_score(sub_hbm, rel_hbm, obj_hbm, ent_hbm, rel_emb_hbm, out_hbm,
              sub_v, obj_v, rel_v, h_v, t_v, tab_v, o_v,
              sem_a, sem_b):
    wid = lax.axis_index("s") * NC + lax.axis_index("c")
    base = wid * BPW
    HALF = BPW // 2
    half = (pl.ds(0, HALF), pl.ds(HALF, HALF))
    copies = []
    for p, sem in ((0, sem_a), (1, sem_b)):
        hb = pl.ds(base + p * HALF, HALF)
        pltpu.sync_copy(sub_hbm.at[hb], sub_v.at[half[p]])
        pltpu.sync_copy(obj_hbm.at[hb], obj_v.at[half[p]])
        pltpu.sync_copy(rel_hbm.at[hb], rel_v.at[half[p]])
        copies += [
            pltpu.async_copy(ent_hbm.at[sub_v.at[half[p]]],
                             h_v.at[half[p]], sem),
            pltpu.async_copy(ent_hbm.at[obj_v.at[half[p]]],
                             t_v.at[half[p]], sem),
            pltpu.async_copy(rel_emb_hbm.at[rel_v.at[half[p]]],
                             tab_v.at[half[p]], sem),
        ]

    lane = lax.iota(jnp.int32, L)
    last = lane == (L - 1)

    def one_elem(b):
        acc = jnp.zeros((L,), jnp.float32)
        for k in range(D // L):
            sl = pl.ds(k * L, L)
            sl2 = pl.ds(D + k * L, L)
            re_h = h_v[b, sl]
            im_h = h_v[b, sl2]
            rv = tab_v[b, sl]
            re_t = t_v[b, sl]
            im_t = t_v[b, sl2]
            sn, cs = _sincos(rv * PHASE_SCALE)
            re_s = re_h * cs - im_h * sn
            im_s = re_h * sn + im_h * cs
            acc = acc + jnp.abs(re_s - re_t) + jnp.abs(im_s - im_t)
        plsc.store_compressed(o_v.at[pl.ds(b, L)],
                              MARGIN - plsc.cumsum(acc), mask=last)

    for c in copies[:3]:
        c.wait()

    @plsc.parallel_loop(0, HALF, 1, unroll=2)
    def _(b):
        one_elem(b)

    for c in copies[3:]:
        c.wait()

    @plsc.parallel_loop(HALF, BPW, 1, unroll=2)
    def _(b):
        one_elem(b)

    pltpu.sync_copy(o_v.at[pl.ds(0, BPW)], out_hbm.at[pl.ds(base, BPW)])


def kernel(sub, rel, obj, ent_emb, rel_emb):
    return _sc_score(sub.astype(jnp.int32), rel.astype(jnp.int32),
                     obj.astype(jnp.int32), ent_emb, rel_emb)

# --- scband reference (transcript-rebuilt; emitter-appended) ---
"""Pipeline reference for scband-rotat-e-33079838114371 (READ-ONLY COPY).

The authoritative reference and input builder live on the scoring server;
editing this copy changes nothing except your own understanding.
"""

import jax, jax.numpy as jnp
import numpy as np

NUM_ENT = 1000000
NUM_REL = 1000
EMB_DIM = 64
MARGIN = 12.0
BATCH = 4096
ERANGE = (MARGIN + 2.0) / EMB_DIM
PI = 3.141592653589793


def setup_inputs(seed: int = 0) -> dict:
    key = jax.random.key(seed)
    k1, k2, k3, k4, k5 = jax.random.split(key, 5)
    sub = jax.random.randint(k1, (BATCH,), 0, NUM_ENT, dtype=jnp.int64) if jax.config.jax_enable_x64 else jax.random.randint(k1, (BATCH,), 0, NUM_ENT)
    rel = jax.random.randint(k2, (BATCH,), 0, NUM_REL)
    obj = jax.random.randint(k3, (BATCH,), 0, NUM_ENT)
    ent_emb = jax.random.uniform(k4, (NUM_ENT, EMB_DIM * 2), minval=-ERANGE, maxval=ERANGE, dtype=jnp.float32)
    rel_emb = jax.random.uniform(k5, (NUM_REL, EMB_DIM), minval=-ERANGE, maxval=ERANGE, dtype=jnp.float32)
    return {"sub": sub, "rel": rel, "obj": obj, "ent_emb": ent_emb, "rel_emb": rel_emb}


def reference(sub, rel, obj, ent_emb, rel_emb):
    h = jnp.take(ent_emb, sub, axis=0)
    r = jnp.take(rel_emb, rel, axis=0)
    re_head, im_head = jnp.split(h, 2, axis=-1)
    phase_relation = r / (ERANGE / PI)
    re_relation = jnp.cos(phase_relation)
    im_relation = jnp.sin(phase_relation)
    re_score = re_head * re_relation - im_head * im_relation
    im_score = re_head * im_relation + im_head * re_relation
    t = jnp.take(ent_emb, obj, axis=0)
    re_tail, im_tail = jnp.split(t, 2, axis=-1)
    re_diff = re_score - re_tail
    im_diff = im_score - im_tail
    diff = jnp.concatenate([re_diff, im_diff], axis=1)
    dist = jnp.sum(jnp.abs(diff), axis=1)
    return MARGIN - dist

if __name__ == "__main__":
    import jax
    _d = setup_inputs()
    print(jax.jit(kernel)(*tuple(_d.values())))

</pallas_src>

<mosaic_0001>
#map = affine_map<(d0, d1) -> (0)>
#map1 = affine_map<(d0, d1) -> (0, 0)>
module attributes {stable_mosaic.version = 14 : i64} {
  func.func @_sc_score(%arg0: i32, %arg1: i32, %arg2: memref<4096xi32, #tpu.memory_space<hbm>>, %arg3: memref<4096xi32, #tpu.memory_space<hbm>>, %arg4: memref<4096xi32, #tpu.memory_space<hbm>>, %arg5: memref<1000000x128xf32, #tpu.memory_space<hbm>>, %arg6: memref<1000x64xf32, #tpu.memory_space<hbm>>, %arg7: memref<4096xf32, #tpu.memory_space<hbm>>, %arg8: memref<128xi32, #tpu.memory_space<vmem>>, %arg9: memref<128xi32, #tpu.memory_space<vmem>>, %arg10: memref<128xi32, #tpu.memory_space<vmem>>, %arg11: memref<128x128xf32, #tpu.memory_space<vmem>>, %arg12: memref<128x128xf32, #tpu.memory_space<vmem>>, %arg13: memref<128x64xf32, #tpu.memory_space<vmem>>, %arg14: memref<144xf32, #tpu.memory_space<vmem>>, %arg15: memref<!tpu.dma_semaphore, #tpu.memory_space<semaphore_mem>>, %arg16: memref<!tpu.dma_semaphore, #tpu.memory_space<semaphore_mem>>) attributes {dimension_semantics = [#tpu.dimension_semantics<core_parallel>, #tpu.dimension_semantics<subcore_parallel>], iteration_bounds = array<i64: 2, 16>, scalar_prefetch = 0 : i64, scratch_operands = 9 : i64, tpu.core_type = #tpu.core_type<sc_vector_subcore>, window_params = [{transform_indices = #map}, {transform_indices = #map}, {transform_indices = #map}, {transform_indices = #map1}, {transform_indices = #map1}, {transform_indices = #map}]} {
    %mul3A = arith.constant 2 : i32
    %mul3A_0 = arith.muli %arg1, %mul3A : i32
    %add3A = arith.addi %mul3A_0, %arg0 : i32
    %mul3A_1 = arith.constant 128 : i32
    %mul3A_2 = arith.muli %add3A, %mul3A_1 : i32
    %add3A_3 = arith.constant 0 : i32
    %add3A_4 = arith.addi %mul3A_2, %add3A_3 : i32
    "tpu.region"() ({
      %run_scoped3A = tpu.sem_alloc : memref<!tpu.dma_semaphore, #tpu.memory_space<semaphore_mem>>
      %dma_start3A_108 = arith.constant 0 : i32
      %dma_start3A_109 = tpu.memref_slice %arg8[%dma_start3A_108] : memref<128xi32, #tpu.memory_space<vmem>> -> memref<64xi32, #tpu.memory_space<vmem>>
      %dma_start3A_110 = tpu.memref_slice %arg2[%add3A_4] : memref<4096xi32, #tpu.memory_space<hbm>> -> memref<64xi32, #tpu.memory_space<hbm>>
      %dma_start3A_111 = arith.constant 0 : i32
      %dma_start3A_112 = tpu.memref_slice %arg8[%dma_start3A_111] : memref<128xi32, #tpu.memory_space<vmem>> -> memref<64xi32, #tpu.memory_space<vmem>>
      %dma_start3A_113 = tpu.memref_slice %arg2[%add3A_4] : memref<4096xi32, #tpu.memory_space<hbm>> -> memref<64xi32, #tpu.memory_space<hbm>>
      tpu.enqueue_dma source(%dma_start3A_113 : memref<64xi32, #tpu.memory_space<hbm>>) target(%dma_start3A_112 : memref<64xi32, #tpu.memory_space<vmem>>) target_semaphore(%run_scoped3A : memref<!tpu.dma_semaphore, #tpu.memory_space<semaphore_mem>>)
      %dma_wait3A_114 = arith.constant 0 : i32
      %dma_wait3A_115 = tpu.memref_slice %arg8[%dma_wait3A_114] : memref<128xi32, #tpu.memory_space<vmem>> -> memref<64xi32, #tpu.memory_space<vmem>>
      %dma_wait3A_116 = tpu.memref_slice %arg2[%add3A_4] : memref<4096xi32, #tpu.memory_space<hbm>> -> memref<64xi32, #tpu.memory_space<hbm>>
      %dma_wait3A_117 = arith.constant 0 : i32
      %dma_wait3A_118 = tpu.memref_slice %arg8[%dma_wait3A_117] : memref<128xi32, #tpu.memory_space<vmem>> -> memref<64xi32, #tpu.memory_space<vmem>>
      %dma_wait3A_119 = tpu.memref_slice %arg2[%add3A_4] : memref<4096xi32, #tpu.memory_space<hbm>> -> memref<64xi32, #tpu.memory_space<hbm>>
      tpu.wait_dma2 semaphore(%run_scoped3A : memref<!tpu.dma_semaphore, #tpu.memory_space<semaphore_mem>>) src(%dma_wait3A_119 : memref<64xi32, #tpu.memory_space<hbm>>) dst(%dma_wait3A_118 : memref<64xi32, #tpu.memory_space<vmem>>)
      tpu.yield
    }) : () -> ()
    "tpu.region"() ({
      %run_scoped3A = tpu.sem_alloc : memref<!tpu.dma_semaphore, #tpu.memory_space<semaphore_mem>>
      %dma_start3A_108 = arith.constant 0 : i32
      %dma_start3A_109 = tpu.memref_slice %arg9[%dma_start3A_108] : memref<128xi32, #tpu.memory_space<vmem>> -> memref<64xi32, #tpu.memory_space<vmem>>
      %dma_start3A_110 = tpu.memref_slice %arg4[%add3A_4] : memref<4096xi32, #tpu.memory_space<hbm>> -> memref<64xi32, #tpu.memory_space<hbm>>
      %dma_start3A_111 = arith.constant 0 : i32
      %dma_start3A_112 = tpu.memref_slice %arg9[%dma_start3A_111] : memref<128xi32, #tpu.memory_space<vmem>> -> memref<64xi32, #tpu.memory_space<vmem>>
      %dma_start3A_113 = tpu.memref_slice %arg4[%add3A_4] : memref<4096xi32, #tpu.memory_space<hbm>> -> memref<64xi32, #tpu.memory_space<hbm>>
      tpu.enqueue_dma source(%dma_start3A_113 : memref<64xi32, #tpu.memory_space<hbm>>) target(%dma_start3A_112 : memref<64xi32, #tpu.memory_space<vmem>>) target_semaphore(%run_scoped3A : memref<!tpu.dma_semaphore, #tpu.memory_space<semaphore_mem>>)
      %dma_wait3A_114 = arith.constant 0 : i32
      %dma_wait3A_115 = tpu.memref_slice %arg9[%dma_wait3A_114] : memref<128xi32, #tpu.memory_space<vmem>> -> memref<64xi32, #tpu.memory_space<vmem>>
      %dma_wait3A_116 = tpu.memref_slice %arg4[%add3A_4] : memref<4096xi32, #tpu.memory_space<hbm>> -> memref<64xi32, #tpu.memory_space<hbm>>
      %dma_wait3A_117 = arith.constant 0 : i32
      %dma_wait3A_118 = tpu.memref_slice %arg9[%dma_wait3A_117] : memref<128xi32, #tpu.memory_space<vmem>> -> memref<64xi32, #tpu.memory_space<vmem>>
      %dma_wait3A_119 = tpu.memref_slice %arg4[%add3A_4] : memref<4096xi32, #tpu.memory_space<hbm>> -> memref<64xi32, #tpu.memory_space<hbm>>
      tpu.wait_dma2 semaphore(%run_scoped3A : memref<!tpu.dma_semaphore, #tpu.memory_space<semaphore_mem>>) src(%dma_wait3A_119 : memref<64xi32, #tpu.memory_space<hbm>>) dst(%dma_wait3A_118 : memref<64xi32, #tpu.memory_space<vmem>>)
      tpu.yield
    }) : () -> ()
    "tpu.region"() ({
      %run_scoped3A = tpu.sem_alloc : memref<!tpu.dma_semaphore, #tpu.memory_space<semaphore_mem>>
      %dma_start3A_108 = arith.constant 0 : i32
      %dma_start3A_109 = tpu.memref_slice %arg10[%dma_start3A_108] : memref<128xi32, #tpu.memory_space<vmem>> -> memref<64xi32, #tpu.memory_space<vmem>>
      %dma_start3A_110 = tpu.memref_slice %arg3[%add3A_4] : memref<4096xi32, #tpu.memory_space<hbm>> -> memref<64xi32, #tpu.memory_space<hbm>>
      %dma_start3A_111 = arith.constant 0 : i32
      %dma_start3A_112 = tpu.memref_slice %arg10[%dma_start3A_111] : memref<128xi32, #tpu.memory_space<vmem>> -> memref<64xi32, #tpu.memory_space<vmem>>
      %dma_start3A_113 = tpu.memref_slice %arg3[%add3A_4] : memref<4096xi32, #tpu.memory_space<hbm>> -> memref<64xi32, #tpu.memory_space<hbm>>
      tpu.enqueue_dma source(%dma_start3A_113 : memref<64xi32, #tpu.memory_space<hbm>>) target(%dma_start3A_112 : memref<64xi32, #tpu.memory_space<vmem>>) target_semaphore(%run_scoped3A : memref<!tpu.dma_semaphore, #tpu.memory_space<semaphore_mem>>)
      %dma_wait3A_114 = arith.constant 0 : i32
      %dma_wait3A_115 = tpu.memref_slice %arg10[%dma_wait3A_114] : memref<128xi32, #tpu.memory_space<vmem>> -> memref<64xi32, #tpu.memory_space<vmem>>
      %dma_wait3A_116 = tpu.memref_slice %arg3[%add3A_4] : memref<4096xi32, #tpu.memory_space<hbm>> -> memref<64xi32, #tpu.memory_space<hbm>>
      %dma_wait3A_117 = arith.constant 0 : i32
      %dma_wait3A_118 = tpu.memref_slice %arg10[%dma_wait3A_117] : memref<128xi32, #tpu.memory_space<vmem>> -> memref<64xi32, #tpu.memory_space<vmem>>
      %dma_wait3A_119 = tpu.memref_slice %arg3[%add3A_4] : memref<4096xi32, #tpu.memory_space<hbm>> -> memref<64xi32, #tpu.memory_space<hbm>>
      tpu.wait_dma2 semaphore(%run_scoped3A : memref<!tpu.dma_semaphore, #tpu.memory_space<semaphore_mem>>) src(%dma_wait3A_119 : memref<64xi32, #tpu.memory_space<hbm>>) dst(%dma_wait3A_118 : memref<64xi32, #tpu.memory_space<vmem>>)
      tpu.yield
    }) : () -> ()
    %dma_start3A = arith.constant 0 : i32
    %dma_start3A_5 = arith.constant 0 : i32
    %dma_start3A_6 = tpu.memref_slice %arg11[%dma_start3A, %dma_start3A_5] : memref<128x128xf32, #tpu.memory_space<vmem>> -> memref<64x128xf32, #tpu.memory_space<vmem>>
    %dma_start3A_7 = arith.constant 0 : i32
    %dma_start3A_8 = tpu.memref_slice %arg8[%dma_start3A_7] : memref<128xi32, #tpu.memory_space<vmem>> -> memref<64xi32, #tpu.memory_space<vmem>>
    %dma_start3A_9 = arith.constant 0 : i32
    %dma_start3A_10 = arith.constant 0 : i32
    %dma_start3A_11 = tpu.memref_slice %arg5[%dma_start3A_9, %dma_start3A_10] : memref<1000000x128xf32, #tpu.memory_space<hbm>> -> memref<1000000x128xf32, #tpu.memory_space<hbm>>
    tpu.enqueue_indirect_dma source(%dma_start3A_11 : memref<1000000x128xf32, #tpu.memory_space<hbm>>) target(%dma_start3A_6 : memref<64x128xf32, #tpu.memory_space<vmem>>) offsets(%dma_start3A_8 : memref<64xi32, #tpu.memory_space<vmem>>) semaphore(%arg15 : memref<!tpu.dma_semaphore, #tpu.memory_space<semaphore_mem>>)
    %dma_start3A_12 = arith.constant 0 : i32
    %dma_start3A_13 = arith.constant 0 : i32
    %dma_start3A_14 = tpu.memref_slice %arg12[%dma_start3A_12, %dma_start3A_13] : memref<128x128xf32, #tpu.memory_space<vmem>> -> memref<64x128xf32, #tpu.memory_space<vmem>>
    %dma_start3A_15 = arith.constant 0 : i32
    %dma_start3A_16 = tpu.memref_slice %arg9[%dma_start3A_15] : memref<128xi32, #tpu.memory_space<vmem>> -> memref<64xi32, #tpu.memory_space<vmem>>
    %dma_start3A_17 = arith.constant 0 : i32
    %dma_start3A_18 = arith.constant 0 : i32
    %dma_start3A_19 = tpu.memref_slice %arg5[%dma_start3A_17, %dma_start3A_18] : memref<1000000x128xf32, #tpu.memory_space<hbm>> -> memref<1000000x128xf32, #tpu.memory_space<hbm>>
    tpu.enqueue_indirect_dma source(%dma_start3A_19 : memref<1000000x128xf32, #tpu.memory_space<hbm>>) target(%dma_start3A_14 : memref<64x128xf32, #tpu.memory_space<vmem>>) offsets(%dma_start3A_16 : memref<64xi32, #tpu.memory_space<vmem>>) semaphore(%arg15 : memref<!tpu.dma_semaphore, #tpu.memory_space<semaphore_mem>>)
    %dma_start3A_20 = arith.constant 0 : i32
    %dma_start3A_21 = arith.constant 0 : i32
    %dma_start3A_22 = tpu.memref_slice %arg13[%dma_start3A_20, %dma_start3A_21] : memref<128x64xf32, #tpu.memory_space<vmem>> -> memref<64x64xf32, #tpu.memory_space<vmem>>
    %dma_start3A_23 = arith.constant 0 : i32
    %dma_start3A_24 = tpu.memref_slice %arg10[%dma_start3A_23] : memref<128xi32, #tpu.memory_space<vmem>> -> memref<64xi32, #tpu.memory_space<vmem>>
    %dma_start3A_25 = arith.constant 0 : i32
    %dma_start3A_26 = arith.constant 0 : i32
    %dma_start3A_27 = tpu.memref_slice %arg6[%dma_start3A_25, %dma_start3A_26] : memref<1000x64xf32, #tpu.memory_space<hbm>> -> memref<1000x64xf32, #tpu.memory_space<hbm>>
    tpu.enqueue_indirect_dma source(%dma_start3A_27 : memref<1000x64xf32, #tpu.memory_space<hbm>>) target(%dma_start3A_22 : memref<64x64xf32, #tpu.memory_space<vmem>>) offsets(%dma_start3A_24 : memref<64xi32, #tpu.memory_space<vmem>>) semaphore(%arg15 : memref<!tpu.dma_semaphore, #tpu.memory_space<semaphore_mem>>)
    %add3A_28 = arith.constant 64 : i32
    %add3A_29 = arith.addi %mul3A_2, %add3A_28 : i32
    "tpu.region"() ({
      %run_scoped3A = tpu.sem_alloc : memref<!tpu.dma_semaphore, #tpu.memory_space<semaphore_mem>>
      %dma_start3A_108 = arith.constant 64 : i32
      %dma_start3A_109 = tpu.memref_slice %arg8[%dma_start3A_108] : memref<128xi32, #tpu.memory_space<vmem>> -> memref<64xi32, #tpu.memory_space<vmem>>
      %dma_start3A_110 = tpu.memref_slice %arg2[%add3A_29] : memref<4096xi32, #tpu.memory_space<hbm>> -> memref<64xi32, #tpu.memory_space<hbm>>
      %dma_start3A_111 = arith.constant 64 : i32
      %dma_start3A_112 = tpu.memref_slice %arg8[%dma_start3A_111] : memref<128xi32, #tpu.memory_space<vmem>> -> memref<64xi32, #tpu.memory_space<vmem>>
      %dma_start3A_113 = tpu.memref_slice %arg2[%add3A_29] : memref<4096xi32, #tpu.memory_space<hbm>> -> memref<64xi32, #tpu.memory_space<hbm>>
      tpu.enqueue_dma source(%dma_start3A_113 : memref<64xi32, #tpu.memory_space<hbm>>) target(%dma_start3A_112 : memref<64xi32, #tpu.memory_space<vmem>>) target_semaphore(%run_scoped3A : memref<!tpu.dma_semaphore, #tpu.memory_space<semaphore_mem>>)
      %dma_wait3A_114 = arith.constant 64 : i32
      %dma_wait3A_115 = tpu.memref_slice %arg8[%dma_wait3A_114] : memref<128xi32, #tpu.memory_space<vmem>> -> memref<64xi32, #tpu.memory_space<vmem>>
      %dma_wait3A_116 = tpu.memref_slice %arg2[%add3A_29] : memref<4096xi32, #tpu.memory_space<hbm>> -> memref<64xi32, #tpu.memory_space<hbm>>
      %dma_wait3A_117 = arith.constant 64 : i32
      %dma_wait3A_118 = tpu.memref_slice %arg8[%dma_wait3A_117] : memref<128xi32, #tpu.memory_space<vmem>> -> memref<64xi32, #tpu.memory_space<vmem>>
      %dma_wait3A_119 = tpu.memref_slice %arg2[%add3A_29] : memref<4096xi32, #tpu.memory_space<hbm>> -> memref<64xi32, #tpu.memory_space<hbm>>
      tpu.wait_dma2 semaphore(%run_scoped3A : memref<!tpu.dma_semaphore, #tpu.memory_space<semaphore_mem>>) src(%dma_wait3A_119 : memref<64xi32, #tpu.memory_space<hbm>>) dst(%dma_wait3A_118 : memref<64xi32, #tpu.memory_space<vmem>>)
      tpu.yield
    }) : () -> ()
    "tpu.region"() ({
      %run_scoped3A = tpu.sem_alloc : memref<!tpu.dma_semaphore, #tpu.memory_space<semaphore_mem>>
      %dma_start3A_108 = arith.constant 64 : i32
      %dma_start3A_109 = tpu.memref_slice %arg9[%dma_start3A_108] : memref<128xi32, #tpu.memory_space<vmem>> -> memref<64xi32, #tpu.memory_space<vmem>>
      %dma_start3A_110 = tpu.memref_slice %arg4[%add3A_29] : memref<4096xi32, #tpu.memory_space<hbm>> -> memref<64xi32, #tpu.memory_space<hbm>>
      %dma_start3A_111 = arith.constant 64 : i32
      %dma_start3A_112 = tpu.memref_slice %arg9[%dma_start3A_111] : memref<128xi32, #tpu.memory_space<vmem>> -> memref<64xi32, #tpu.memory_space<vmem>>
      %dma_start3A_113 = tpu.memref_slice %arg4[%add3A_29] : memref<4096xi32, #tpu.memory_space<hbm>> -> memref<64xi32, #tpu.memory_space<hbm>>
      tpu.enqueue_dma source(%dma_start3A_113 : memref<64xi32, #tpu.memory_space<hbm>>) target(%dma_start3A_112 : memref<64xi32, #tpu.memory_space<vmem>>) target_semaphore(%run_scoped3A : memref<!tpu.dma_semaphore, #tpu.memory_space<semaphore_mem>>)
      %dma_wait3A_114 = arith.constant 64 : i32
      %dma_wait3A_115 = tpu.memref_slice %arg9[%dma_wait3A_114] : memref<128xi32, #tpu.memory_space<vmem>> -> memref<64xi32, #tpu.memory_space<vmem>>
      %dma_wait3A_116 = tpu.memref_slice %arg4[%add3A_29] : memref<4096xi32, #tpu.memory_space<hbm>> -> memref<64xi32, #tpu.memory_space<hbm>>
      %dma_wait3A_117 = arith.constant 64 : i32
      %dma_wait3A_118 = tpu.memref_slice %arg9[%dma_wait3A_117] : memref<128xi32, #tpu.memory_space<vmem>> -> memref<64xi32, #tpu.memory_space<vmem>>
      %dma_wait3A_119 = tpu.memref_slice %arg4[%add3A_29] : memref<4096xi32, #tpu.memory_space<hbm>> -> memref<64xi32, #tpu.memory_space<hbm>>
      tpu.wait_dma2 semaphore(%run_scoped3A : memref<!tpu.dma_semaphore, #tpu.memory_space<semaphore_mem>>) src(%dma_wait3A_119 : memref<64xi32, #tpu.memory_space<hbm>>) dst(%dma_wait3A_118 : memref<64xi32, #tpu.memory_space<vmem>>)
      tpu.yield
    }) : () -> ()
    "tpu.region"() ({
      %run_scoped3A = tpu.sem_alloc : memref<!tpu.dma_semaphore, #tpu.memory_space<semaphore_mem>>
      %dma_start3A_108 = arith.constant 64 : i32
      %dma_start3A_109 = tpu.memref_slice %arg10[%dma_start3A_108] : memref<128xi32, #tpu.memory_space<vmem>> -> memref<64xi32, #tpu.memory_space<vmem>>
      %dma_start3A_110 = tpu.memref_slice %arg3[%add3A_29] : memref<4096xi32, #tpu.memory_space<hbm>> -> memref<64xi32, #tpu.memory_space<hbm>>
      %dma_start3A_111 = arith.constant 64 : i32
      %dma_start3A_112 = tpu.memref_slice %arg10[%dma_start3A_111] : memref<128xi32, #tpu.memory_space<vmem>> -> memref<64xi32, #tpu.memory_space<vmem>>
      %dma_start3A_113 = tpu.memref_slice %arg3[%add3A_29] : memref<4096xi32, #tpu.memory_space<hbm>> -> memref<64xi32, #tpu.memory_space<hbm>>
      tpu.enqueue_dma source(%dma_start3A_113 : memref<64xi32, #tpu.memory_space<hbm>>) target(%dma_start3A_112 : memref<64xi32, #tpu.memory_space<vmem>>) target_semaphore(%run_scoped3A : memref<!tpu.dma_semaphore, #tpu.memory_space<semaphore_mem>>)
      %dma_wait3A_114 = arith.constant 64 : i32
      %dma_wait3A_115 = tpu.memref_slice %arg10[%dma_wait3A_114] : memref<128xi32, #tpu.memory_space<vmem>> -> memref<64xi32, #tpu.memory_space<vmem>>
      %dma_wait3A_116 = tpu.memref_slice %arg3[%add3A_29] : memref<4096xi32, #tpu.memory_space<hbm>> -> memref<64xi32, #tpu.memory_space<hbm>>
      %dma_wait3A_117 = arith.constant 64 : i32
      %dma_wait3A_118 = tpu.memref_slice %arg10[%dma_wait3A_117] : memref<128xi32, #tpu.memory_space<vmem>> -> memref<64xi32, #tpu.memory_space<vmem>>
      %dma_wait3A_119 = tpu.memref_slice %arg3[%add3A_29] : memref<4096xi32, #tpu.memory_space<hbm>> -> memref<64xi32, #tpu.memory_space<hbm>>
      tpu.wait_dma2 semaphore(%run_scoped3A : memref<!tpu.dma_semaphore, #tpu.memory_space<semaphore_mem>>) src(%dma_wait3A_119 : memref<64xi32, #tpu.memory_space<hbm>>) dst(%dma_wait3A_118 : memref<64xi32, #tpu.memory_space<vmem>>)
      tpu.yield
    }) : () -> ()
    %dma_start3A_30 = arith.constant 64 : i32
    %dma_start3A_31 = arith.constant 0 : i32
    %dma_start3A_32 = tpu.memref_slice %arg11[%dma_start3A_30, %dma_start3A_31] : memref<128x128xf32, #tpu.memory_space<vmem>> -> memref<64x128xf32, #tpu.memory_space<vmem>>
    %dma_start3A_33 = arith.constant 64 : i32
    %dma_start3A_34 = tpu.memref_slice %arg8[%dma_start3A_33] : memref<128xi32, #tpu.memory_space<vmem>> -> memref<64xi32, #tpu.memory_space<vmem>>
    %dma_start3A_35 = arith.constant 0 : i32
    %dma_start3A_36 = arith.constant 0 : i32
    %dma_start3A_37 = tpu.memref_slice %arg5[%dma_start3A_35, %dma_start3A_36] : memref<1000000x128xf32, #tpu.memory_space<hbm>> -> memref<1000000x128xf32, #tpu.memory_space<hbm>>
    tpu.enqueue_indirect_dma source(%dma_start3A_37 : memref<1000000x128xf32, #tpu.memory_space<hbm>>) target(%dma_start3A_32 : memref<64x128xf32, #tpu.memory_space<vmem>>) offsets(%dma_start3A_34 : memref<64xi32, #tpu.memory_space<vmem>>) semaphore(%arg16 : memref<!tpu.dma_semaphore, #tpu.memory_space<semaphore_mem>>)
    %dma_start3A_38 = arith.constant 64 : i32
    %dma_start3A_39 = arith.constant 0 : i32
    %dma_start3A_40 = tpu.memref_slice %arg12[%dma_start3A_38, %dma_start3A_39] : memref<128x128xf32, #tpu.memory_space<vmem>> -> memref<64x128xf32, #tpu.memory_space<vmem>>
    %dma_start3A_41 = arith.constant 64 : i32
    %dma_start3A_42 = tpu.memref_slice %arg9[%dma_start3A_41] : memref<128xi32, #tpu.memory_space<vmem>> -> memref<64xi32, #tpu.memory_space<vmem>>
    %dma_start3A_43 = arith.constant 0 : i32
    %dma_start3A_44 = arith.constant 0 : i32
    %dma_start3A_45 = tpu.memref_slice %arg5[%dma_start3A_43, %dma_start3A_44] : memref<1000000x128xf32, #tpu.memory_space<hbm>> -> memref<1000000x128xf32, #tpu.memory_space<hbm>>
    tpu.enqueue_indirect_dma source(%dma_start3A_45 : memref<1000000x128xf32, #tpu.memory_space<hbm>>) target(%dma_start3A_40 : memref<64x128xf32, #tpu.memory_space<vmem>>) offsets(%dma_start3A_42 : memref<64xi32, #tpu.memory_space<vmem>>) semaphore(%arg16 : memref<!tpu.dma_semaphore, #tpu.memory_space<semaphore_mem>>)
    %dma_start3A_46 = arith.constant 64 : i32
    %dma_start3A_47 = arith.constant 0 : i32
    %dma_start3A_48 = tpu.memref_slice %arg13[%dma_start3A_46, %dma_start3A_47] : memref<128x64xf32, #tpu.memory_space<vmem>> -> memref<64x64xf32, #tpu.memory_space<vmem>>
    %dma_start3A_49 = arith.constant 64 : i32
    %dma_start3A_50 = tpu.memref_slice %arg10[%dma_start3A_49] : memref<128xi32, #tpu.memory_space<vmem>> -> memref<64xi32, #tpu.memory_space<vmem>>
    %dma_start3A_51 = arith.constant 0 : i32
    %dma_start3A_52 = arith.constant 0 : i32
    %dma_start3A_53 = tpu.memref_slice %arg6[%dma_start3A_51, %dma_start3A_52] : memref<1000x64xf32, #tpu.memory_space<hbm>> -> memref<1000x64xf32, #tpu.memory_space<hbm>>
    tpu.enqueue_indirect_dma source(%dma_start3A_53 : memref<1000x64xf32, #tpu.memory_space<hbm>>) target(%dma_start3A_48 : memref<64x64xf32, #tpu.memory_space<vmem>>) offsets(%dma_start3A_50 : memref<64xi32, #tpu.memory_space<vmem>>) semaphore(%arg16 : memref<!tpu.dma_semaphore, #tpu.memory_space<semaphore_mem>>)
    %iota3A = tpu.iota {dimensions = array<i32: 0>} : vector<16xi32>
    %eq3A = arith.constant 15 : i32
    %eq3A_54 = vector.broadcast %eq3A : i32 to vector<16xi32>
    %eq3A_55 = arith.cmpi eq, %iota3A, %eq3A_54 : vector<16xi32>
    %dma_wait3A = arith.constant 0 : i32
    %dma_wait3A_56 = arith.constant 0 : i32
    %dma_wait3A_57 = tpu.memref_slice %arg11[%dma_wait3A, %dma_wait3A_56] : memref<128x128xf32, #tpu.memory_space<vmem>> -> memref<64x128xf32, #tpu.memory_space<vmem>>
    %dma_wait3A_58 = arith.constant 0 : i32
    %dma_wait3A_59 = tpu.memref_slice %arg8[%dma_wait3A_58] : memref<128xi32, #tpu.memory_space<vmem>> -> memref<64xi32, #tpu.memory_space<vmem>>
    %dma_wait3A_60 = arith.constant 0 : i32
    %dma_wait3A_61 = arith.constant 0 : i32
    %dma_wait3A_62 = tpu.memref_slice %arg5[%dma_wait3A_60, %dma_wait3A_61] : memref<1000000x128xf32, #tpu.memory_space<hbm>> -> memref<1000000x128xf32, #tpu.memory_space<hbm>>
    tpu.wait_indirect_dma semaphore(%arg15 : memref<!tpu.dma_semaphore, #tpu.memory_space<semaphore_mem>>) src(%dma_wait3A_62 : memref<1000000x128xf32, #tpu.memory_space<hbm>>) dst(%dma_wait3A_57 : memref<64x128xf32, #tpu.memory_space<vmem>>)
    %dma_wait3A_63 = arith.constant 0 : i32
    %dma_wait3A_64 = arith.constant 0 : i32
    %dma_wait3A_65 = tpu.memref_slice %arg12[%dma_wait3A_63, %dma_wait3A_64] : memref<128x128xf32, #tpu.memory_space<vmem>> -> memref<64x128xf32, #tpu.memory_space<vmem>>
    %dma_wait3A_66 = arith.constant 0 : i32
    %dma_wait3A_67 = tpu.memref_slice %arg9[%dma_wait3A_66] : memref<128xi32, #tpu.memory_space<vmem>> -> memref<64xi32, #tpu.memory_space<vmem>>
    %dma_wait3A_68 = arith.constant 0 : i32
    %dma_wait3A_69 = arith.constant 0 : i32
    %dma_wait3A_70 = tpu.memref_slice %arg5[%dma_wait3A_68, %dma_wait3A_69] : memref<1000000x128xf32, #tpu.memory_space<hbm>> -> memref<1000000x128xf32, #tpu.memory_space<hbm>>
    tpu.wait_indirect_dma semaphore(%arg15 : memref<!tpu.dma_semaphore, #tpu.memory_space<semaphore_mem>>) src(%dma_wait3A_70 : memref<1000000x128xf32, #tpu.memory_space<hbm>>) dst(%dma_wait3A_65 : memref<64x128xf32, #tpu.memory_space<vmem>>)
    %dma_wait3A_71 = arith.constant 0 : i32
    %dma_wait3A_72 = arith.constant 0 : i32
    %dma_wait3A_73 = tpu.memref_slice %arg13[%dma_wait3A_71, %dma_wait3A_72] : memref<128x64xf32, #tpu.memory_space<vmem>> -> memref<64x64xf32, #tpu.memory_space<vmem>>
    %dma_wait3A_74 = arith.constant 0 : i32
    %dma_wait3A_75 = tpu.memref_slice %arg10[%dma_wait3A_74] : memref<128xi32, #tpu.memory_space<vmem>> -> memref<64xi32, #tpu.memory_space<vmem>>
    %dma_wait3A_76 = arith.constant 0 : i32
    %dma_wait3A_77 = arith.constant 0 : i32
    %dma_wait3A_78 = tpu.memref_slice %arg6[%dma_wait3A_76, %dma_wait3A_77] : memref<1000x64xf32, #tpu.memory_space<hbm>> -> memref<1000x64xf32, #tpu.memory_space<hbm>>
    tpu.wait_indirect_dma semaphore(%arg15 : memref<!tpu.dma_semaphore, #tpu.memory_space<semaphore_mem>>) src(%dma_wait3A_78 : memref<1000x64xf32, #tpu.memory_space<hbm>>) dst(%dma_wait3A_73 : memref<64x64xf32, #tpu.memory_space<vmem>>)
    %parallel_loop3A = arith.constant 0 : i32
    %parallel_loop3A_79 = arith.constant 64 : i32
    %parallel_loop3A_80 = arith.constant 1 : i32
    scf.for %parallel_loop3A_108 = %parallel_loop3A to %parallel_loop3A_79 step %parallel_loop3A_80  : i32 {
      %parallel_loop3A_109 = arith.constant 0.000000e+00 : f32
      %parallel_loop3A_110 = vector.broadcast %parallel_loop3A_109 : f32 to vector<16xf32>
      %parallel_loop3A_111 = arith.index_cast %parallel_loop3A_108 : i32 to index
      %parallel_loop3A_112 = arith.constant 0 : index
      %parallel_loop3A_113 = tpu.vector_load %arg11[%parallel_loop3A_111, %parallel_loop3A_112] {strides = array<i32>} : memref<128x128xf32, #tpu.memory_space<vmem>>, vector<16xf32>,
      %parallel_loop3A_114 = arith.index_cast %parallel_loop3A_108 : i32 to index
      %parallel_loop3A_115 = arith.constant 64 : index
      %parallel_loop3A_116 = tpu.vector_load %arg11[%parallel_loop3A_114, %parallel_loop3A_115] {strides = array<i32>} : memref<128x128xf32, #tpu.memory_space<vmem>>, vector<16xf32>,
      %parallel_loop3A_117 = arith.index_cast %parallel_loop3A_108 : i32 to index
      %parallel_loop3A_118 = arith.constant 0 : index
      %parallel_loop3A_119 = tpu.vector_load %arg13[%parallel_loop3A_117, %parallel_loop3A_118] {strides = array<i32>} : memref<128x64xf32, #tpu.memory_space<vmem>>, vector<16xf32>,
      %parallel_loop3A_120 = arith.index_cast %parallel_loop3A_108 : i32 to index
      %parallel_loop3A_121 = arith.constant 0 : index
      %parallel_loop3A_122 = tpu.vector_load %arg12[%parallel_loop3A_120, %parallel_loop3A_121] {strides = array<i32>} : memref<128x128xf32, #tpu.memory_space<vmem>>, vector<16xf32>,
      %parallel_loop3A_123 = arith.index_cast %parallel_loop3A_108 : i32 to index
      %parallel_loop3A_124 = arith.constant 64 : index
      %parallel_loop3A_125 = tpu.vector_load %arg12[%parallel_loop3A_123, %parallel_loop3A_124] {strides = array<i32>} : memref<128x128xf32, #tpu.memory_space<vmem>>, vector<16xf32>,
      %parallel_loop3A_126 = arith.constant 14.3615665 : f32
      %parallel_loop3A_127 = vector.broadcast %parallel_loop3A_126 : f32 to vector<16xf32>
      %parallel_loop3A_128 = arith.mulf %parallel_loop3A_119, %parallel_loop3A_127 : vector<16xf32>
      %parallel_loop3A_129 = arith.mulf %parallel_loop3A_128, %parallel_loop3A_128 : vector<16xf32>
      %parallel_loop3A_130 = arith.constant -1.47740444E-4 : f32
      %parallel_loop3A_131 = vector.broadcast %parallel_loop3A_130 : f32 to vector<16xf32>
      %parallel_loop3A_132 = arith.mulf %parallel_loop3A_131, %parallel_loop3A_129 : vector<16xf32>
      %parallel_loop3A_133 = arith.constant 0.00799857546 : f32
      %parallel_loop3A_134 = vector.broadcast %parallel_loop3A_133 : f32 to vector<16xf32>
      %parallel_loop3A_135 = arith.addf %parallel_loop3A_132, %parallel_loop3A_134 : vector<16xf32>
      %parallel_loop3A_136 = arith.mulf %parallel_loop3A_135, %parallel_loop3A_129 : vector<16xf32>
      %parallel_loop3A_137 = arith.constant -0.165838435 : f32
      %parallel_loop3A_138 = vector.broadcast %parallel_loop3A_137 : f32 to vector<16xf32>
      %parallel_loop3A_139 = arith.addf %parallel_loop3A_136, %parallel_loop3A_138 : vector<16xf32>
      %parallel_loop3A_140 = arith.mulf %parallel_loop3A_139, %parallel_loop3A_129 : vector<16xf32>
      %parallel_loop3A_141 = arith.constant 0.999450147 : f32
      %parallel_loop3A_142 = vector.broadcast %parallel_loop3A_141 : f32 to vector<16xf32>
      %parallel_loop3A_143 = arith.addf %parallel_loop3A_140, %parallel_loop3A_142 : vector<16xf32>
      %parallel_loop3A_144 = arith.mulf %parallel_loop3A_143, %parallel_loop3A_128 : vector<16xf32>
      %parallel_loop3A_145 = arith.constant 1.90652154E-5 : f32
      %parallel_loop3A_146 = vector.broadcast %parallel_loop3A_145 : f32 to vector<16xf32>
      %parallel_loop3A_147 = arith.mulf %parallel_loop3A_146, %parallel_loop3A_129 : vector<16xf32>
      %parallel_loop3A_148 = arith.constant -0.00134410686 : f32
      %parallel_loop3A_149 = vector.broadcast %parallel_loop3A_148 : f32 to vector<16xf32>
      %parallel_loop3A_150 = arith.addf %parallel_loop3A_147, %parallel_loop3A_149 : vector<16xf32>
      %parallel_loop3A_151 = arith.mulf %parallel_loop3A_150, %parallel_loop3A_129 : vector<16xf32>
      %parallel_loop3A_152 = arith.constant 0.0415223055 : f32
      %parallel_loop3A_153 = vector.broadcast %parallel_loop3A_152 : f32 to vector<16xf32>
      %parallel_loop3A_154 = arith.addf %parallel_loop3A_151, %parallel_loop3A_153 : vector<16xf32>
      %parallel_loop3A_155 = arith.mulf %parallel_loop3A_154, %parallel_loop3A_129 : vector<16xf32>
      %parallel_loop3A_156 = arith.constant -0.499837607 : f32
      %parallel_loop3A_157 = vector.broadcast %parallel_loop3A_156 : f32 to vector<16xf32>
      %parallel_loop3A_158 = arith.addf %parallel_loop3A_155, %parallel_loop3A_157 : vector<16xf32>
      %parallel_loop3A_159 = arith.mulf %parallel_loop3A_158, %parallel_loop3A_129 : vector<16xf32>
      %parallel_loop3A_160 = arith.constant 0.999971091 : f32
      %parallel_loop3A_161 = vector.broadcast %parallel_loop3A_160 : f32 to vector<16xf32>
      %parallel_loop3A_162 = arith.addf %parallel_loop3A_159, %parallel_loop3A_161 : vector<16xf32>
      %parallel_loop3A_163 = arith.mulf %parallel_loop3A_113, %parallel_loop3A_162 : vector<16xf32>
      %parallel_loop3A_164 = arith.mulf %parallel_loop3A_116, %parallel_loop3A_144 : vector<16xf32>
      %parallel_loop3A_165 = arith.subf %parallel_loop3A_163, %parallel_loop3A_164 : vector<16xf32>
      %parallel_loop3A_166 = arith.mulf %parallel_loop3A_113, %parallel_loop3A_144 : vector<16xf32>
      %parallel_loop3A_167 = arith.mulf %parallel_loop3A_116, %parallel_loop3A_162 : vector<16xf32>
      %parallel_loop3A_168 = arith.addf %parallel_loop3A_166, %parallel_loop3A_167 : vector<16xf32>
      %parallel_loop3A_169 = arith.subf %parallel_loop3A_165, %parallel_loop3A_122 : vector<16xf32>
      %parallel_loop3A_170 = math.absf %parallel_loop3A_169 : vector<16xf32>
      %parallel_loop3A_171 = arith.addf %parallel_loop3A_110, %parallel_loop3A_170 : vector<16xf32>
      %parallel_loop3A_172 = arith.subf %parallel_loop3A_168, %parallel_loop3A_125 : vector<16xf32>
      %parallel_loop3A_173 = math.absf %parallel_loop3A_172 : vector<16xf32>
      %parallel_loop3A_174 = arith.addf %parallel_loop3A_171, %parallel_loop3A_173 : vector<16xf32>
      %parallel_loop3A_175 = arith.index_cast %parallel_loop3A_108 : i32 to index
      %parallel_loop3A_176 = arith.constant 16 : index
      %parallel_loop3A_177 = tpu.vector_load %arg11[%parallel_loop3A_175, %parallel_loop3A_176] {strides = array<i32>} : memref<128x128xf32, #tpu.memory_space<vmem>>, vector<16xf32>,
      %parallel_loop3A_178 = arith.index_cast %parallel_loop3A_108 : i32 to index
      %parallel_loop3A_179 = arith.constant 80 : index
      %parallel_loop3A_180 = tpu.vector_load %arg11[%parallel_loop3A_178, %parallel_loop3A_179] {strides = array<i32>} : memref<128x128xf32, #tpu.memory_space<vmem>>, vector<16xf32>,
      %parallel_loop3A_181 = arith.index_cast %parallel_loop3A_108 : i32 to index
      %parallel_loop3A_182 = arith.constant 16 : index
      %parallel_loop3A_183 = tpu.vector_load %arg13[%parallel_loop3A_181, %parallel_loop3A_182] {strides = array<i32>} : memref<128x64xf32, #tpu.memory_space<vmem>>, vector<16xf32>,
      %parallel_loop3A_184 = arith.index_cast %parallel_loop3A_108 : i32 to index
      %parallel_loop3A_185 = arith.constant 16 : index
      %parallel_loop3A_186 = tpu.vector_load %arg12[%parallel_loop3A_184, %parallel_loop3A_185] {strides = array<i32>} : memref<128x128xf32, #tpu.memory_space<vmem>>, vector<16xf32>,
      %parallel_loop3A_187 = arith.index_cast %parallel_loop3A_108 : i32 to index
      %parallel_loop3A_188 = arith.constant 80 : index
      %parallel_loop3A_189 = tpu.vector_load %arg12[%parallel_loop3A_187, %parallel_loop3A_188] {strides = array<i32>} : memref<128x128xf32, #tpu.memory_space<vmem>>, vector<16xf32>,
      %parallel_loop3A_190 = arith.constant 14.3615665 : f32
      %parallel_loop3A_191 = vector.broadcast %parallel_loop3A_190 : f32 to vector<16xf32>
      %parallel_loop3A_192 = arith.mulf %parallel_loop3A_183, %parallel_loop3A_191 : vector<16xf32>
      %parallel_loop3A_193 = arith.mulf %parallel_loop3A_192, %parallel_loop3A_192 : vector<16xf32>
      %parallel_loop3A_194 = arith.constant -1.47740444E-4 : f32
      %parallel_loop3A_195 = vector.broadcast %parallel_loop3A_194 : f32 to vector<16xf32>
      %parallel_loop3A_196 = arith.mulf %parallel_loop3A_195, %parallel_loop3A_193 : vector<16xf32>
      %parallel_loop3A_197 = arith.constant 0.00799857546 : f32
      %parallel_loop3A_198 = vector.broadcast %parallel_loop3A_197 : f32 to vector<16xf32>
      %parallel_loop3A_199 = arith.addf %parallel_loop3A_196, %parallel_loop3A_198 : vector<16xf32>
      %parallel_loop3A_200 = arith.mulf %parallel_loop3A_199, %parallel_loop3A_193 : vector<16xf32>
      %parallel_loop3A_201 = arith.constant -0.165838435 : f32
      %parallel_loop3A_202 = vector.broadcast %parallel_loop3A_201 : f32 to vector<16xf32>
      %parallel_loop3A_203 = arith.addf %parallel_loop3A_200, %parallel_loop3A_202 : vector<16xf32>
      %parallel_loop3A_204 = arith.mulf %parallel_loop3A_203, %parallel_loop3A_193 : vector<16xf32>
      %parallel_loop3A_205 = arith.constant 0.999450147 : f32
      %parallel_loop3A_206 = vector.broadcast %parallel_loop3A_205 : f32 to vector<16xf32>
      %parallel_loop3A_207 = arith.addf %parallel_loop3A_204, %parallel_loop3A_206 : vector<16xf32>
      %parallel_loop3A_208 = arith.mulf %parallel_loop3A_207, %parallel_loop3A_192 : vector<16xf32>
      %parallel_loop3A_209 = arith.constant 1.90652154E-5 : f32
      %parallel_loop3A_210 = vector.broadcast %parallel_loop3A_209 : f32 to vector<16xf32>
      %parallel_loop3A_211 = arith.mulf %parallel_loop3A_210, %parallel_loop3A_193 : vector<16xf32>
      %parallel_loop3A_212 = arith.constant -0.00134410686 : f32
      %parallel_loop3A_213 = vector.broadcast %parallel_loop3A_212 : f32 to vector<16xf32>
      %parallel_loop3A_214 = arith.addf %parallel_loop3A_211, %parallel_loop3A_213 : vector<16xf32>
      %parallel_loop3A_215 = arith.mulf %parallel_loop3A_214, %parallel_loop3A_193 : vector<16xf32>
      %parallel_loop3A_216 = arith.constant 0.0415223055 : f32
      %parallel_loop3A_217 = vector.broadcast %parallel_loop3A_216 : f32 to vector<16xf32>
      %parallel_loop3A_218 = arith.addf %parallel_loop3A_215, %parallel_loop3A_217 : vector<16xf32>
      %parallel_loop3A_219 = arith.mulf %parallel_loop3A_218, %parallel_loop3A_193 : vector<16xf32>
      %parallel_loop3A_220 = arith.constant -0.499837607 : f32
      %parallel_loop3A_221 = vector.broadcast %parallel_loop3A_220 : f32 to vector<16xf32>
      %parallel_loop3A_222 = arith.addf %parallel_loop3A_219, %parallel_loop3A_221 : vector<16xf32>
      %parallel_loop3A_223 = arith.mulf %parallel_loop3A_222, %parallel_loop3A_193 : vector<16xf32>
      %parallel_loop3A_224 = arith.constant 0.999971091 : f32
      %parallel_loop3A_225 = vector.broadcast %parallel_loop3A_224 : f32 to vector<16xf32>
      %parallel_loop3A_226 = arith.addf %parallel_loop3A_223, %parallel_loop3A_225 : vector<16xf32>
      %parallel_loop3A_227 = arith.mulf %parallel_loop3A_177, %parallel_loop3A_226 : vector<16xf32>
      %parallel_loop3A_228 = arith.mulf %parallel_loop3A_180, %parallel_loop3A_208 : vector<16xf32>
      %parallel_loop3A_229 = arith.subf %parallel_loop3A_227, %parallel_loop3A_228 : vector<16xf32>
      %parallel_loop3A_230 = arith.mulf %parallel_loop3A_177, %parallel_loop3A_208 : vector<16xf32>
      %parallel_loop3A_231 = arith.mulf %parallel_loop3A_180, %parallel_loop3A_226 : vector<16xf32>
      %parallel_loop3A_232 = arith.addf %parallel_loop3A_230, %parallel_loop3A_231 : vector<16xf32>
      %parallel_loop3A_233 = arith.subf %parallel_loop3A_229, %parallel_loop3A_186 : vector<16xf32>
      %parallel_loop3A_234 = math.absf %parallel_loop3A_233 : vector<16xf32>
      %parallel_loop3A_235 = arith.addf %parallel_loop3A_174, %parallel_loop3A_234 : vector<16xf32>
      %parallel_loop3A_236 = arith.subf %parallel_loop3A_232, %parallel_loop3A_189 : vector<16xf32>
      %parallel_loop3A_237 = math.absf %parallel_loop3A_236 : vector<16xf32>
      %parallel_loop3A_238 = arith.addf %parallel_loop3A_235, %parallel_loop3A_237 : vector<16xf32>
      %parallel_loop3A_239 = arith.index_cast %parallel_loop3A_108 : i32 to index
      %parallel_loop3A_240 = arith.constant 32 : index
      %parallel_loop3A_241 = tpu.vector_load %arg11[%parallel_loop3A_239, %parallel_loop3A_240] {strides = array<i32>} : memref<128x128xf32, #tpu.memory_space<vmem>>, vector<16xf32>,
      %parallel_loop3A_242 = arith.index_cast %parallel_loop3A_108 : i32 to index
      %parallel_loop3A_243 = arith.constant 96 : index
      %parallel_loop3A_244 = tpu.vector_load %arg11[%parallel_loop3A_242, %parallel_loop3A_243] {strides = array<i32>} : memref<128x128xf32, #tpu.memory_space<vmem>>, vector<16xf32>,
      %parallel_loop3A_245 = arith.index_cast %parallel_loop3A_108 : i32 to index
      %parallel_loop3A_246 = arith.constant 32 : index
      %parallel_loop3A_247 = tpu.vector_load %arg13[%parallel_loop3A_245, %parallel_loop3A_246] {strides = array<i32>} : memref<128x64xf32, #tpu.memory_space<vmem>>, vector<16xf32>,
      %parallel_loop3A_248 = arith.index_cast %parallel_loop3A_108 : i32 to index
      %parallel_loop3A_249 = arith.constant 32 : index
      %parallel_loop3A_250 = tpu.vector_load %arg12[%parallel_loop3A_248, %parallel_loop3A_249] {strides = array<i32>} : memref<128x128xf32, #tpu.memory_space<vmem>>, vector<16xf32>,
      %parallel_loop3A_251 = arith.index_cast %parallel_loop3A_108 : i32 to index
      %parallel_loop3A_252 = arith.constant 96 : index
      %parallel_loop3A_253 = tpu.vector_load %arg12[%parallel_loop3A_251, %parallel_loop3A_252] {strides = array<i32>} : memref<128x128xf32, #tpu.memory_space<vmem>>, vector<16xf32>,
      %parallel_loop3A_254 = arith.constant 14.3615665 : f32
      %parallel_loop3A_255 = vector.broadcast %parallel_loop3A_254 : f32 to vector<16xf32>
      %parallel_loop3A_256 = arith.mulf %parallel_loop3A_247, %parallel_loop3A_255 : vector<16xf32>
      %parallel_loop3A_257 = arith.mulf %parallel_loop3A_256, %parallel_loop3A_256 : vector<16xf32>
      %parallel_loop3A_258 = arith.constant -1.47740444E-4 : f32
      %parallel_loop3A_259 = vector.broadcast %parallel_loop3A_258 : f32 to vector<16xf32>
      %parallel_loop3A_260 = arith.mulf %parallel_loop3A_259, %parallel_loop3A_257 : vector<16xf32>
      %parallel_loop3A_261 = arith.constant 0.00799857546 : f32
      %parallel_loop3A_262 = vector.broadcast %parallel_loop3A_261 : f32 to vector<16xf32>
      %parallel_loop3A_263 = arith.addf %parallel_loop3A_260, %parallel_loop3A_262 : vector<16xf32>
      %parallel_loop3A_264 = arith.mulf %parallel_loop3A_263, %parallel_loop3A_257 : vector<16xf32>
      %parallel_loop3A_265 = arith.constant -0.165838435 : f32
      %parallel_loop3A_266 = vector.broadcast %parallel_loop3A_265 : f32 to vector<16xf32>
      %parallel_loop3A_267 = arith.addf %parallel_loop3A_264, %parallel_loop3A_266 : vector<16xf32>
      %parallel_loop3A_268 = arith.mulf %parallel_loop3A_267, %parallel_loop3A_257 : vector<16xf32>
      %parallel_loop3A_269 = arith.constant 0.999450147 : f32
      %parallel_loop3A_270 = vector.broadcast %parallel_loop3A_269 : f32 to vector<16xf32>
      %parallel_loop3A_271 = arith.addf %parallel_loop3A_268, %parallel_loop3A_270 : vector<16xf32>
      %parallel_loop3A_272 = arith.mulf %parallel_loop3A_271, %parallel_loop3A_256 : vector<16xf32>
      %parallel_loop3A_273 = arith.constant 1.90652154E-5 : f32
      %parallel_loop3A_274 = vector.broadcast %parallel_loop3A_273 : f32 to vector<16xf32>
      %parallel_loop3A_275 = arith.mulf %parallel_loop3A_274, %parallel_loop3A_257 : vector<16xf32>
      %parallel_loop3A_276 = arith.constant -0.00134410686 : f32
      %parallel_loop3A_277 = vector.broadcast %parallel_loop3A_276 : f32 to vector<16xf32>
      %parallel_loop3A_278 = arith.addf %parallel_loop3A_275, %parallel_loop3A_277 : vector<16xf32>
      %parallel_loop3A_279 = arith.mulf %parallel_loop3A_278, %parallel_loop3A_257 : vector<16xf32>
      %parallel_loop3A_280 = arith.constant 0.0415223055 : f32
      %parallel_loop3A_281 = vector.broadcast %parallel_loop3A_280 : f32 to vector<16xf32>
      %parallel_loop3A_282 = arith.addf %parallel_loop3A_279, %parallel_loop3A_281 : vector<16xf32>
      %parallel_loop3A_283 = arith.mulf %parallel_loop3A_282, %parallel_loop3A_257 : vector<16xf32>
      %parallel_loop3A_284 = arith.constant -0.499837607 : f32
      %parallel_loop3A_285 = vector.broadcast %parallel_loop3A_284 : f32 to vector<16xf32>
      %parallel_loop3A_286 = arith.addf %parallel_loop3A_283, %parallel_loop3A_285 : vector<16xf32>
      %parallel_loop3A_287 = arith.mulf %parallel_loop3A_286, %parallel_loop3A_257 : vector<16xf32>
      %parallel_loop3A_288 = arith.constant 0.999971091 : f32
      %parallel_loop3A_289 = vector.broadcast %parallel_loop3A_288 : f32 to vector<16xf32>
      %parallel_loop3A_290 = arith.addf %parallel_loop3A_287, %parallel_loop3A_289 : vector<16xf32>
      %parallel_loop3A_291 = arith.mulf %parallel_loop3A_241, %parallel_loop3A_290 : vector<16xf32>
      %parallel_loop3A_292 = arith.mulf %parallel_loop3A_244, %parallel_loop3A_272 : vector<16xf32>
      %parallel_loop3A_293 = arith.subf %parallel_loop3A_291, %parallel_loop3A_292 : vector<16xf32>
      %parallel_loop3A_294 = arith.mulf %parallel_loop3A_241, %parallel_loop3A_272 : vector<16xf32>
      %parallel_loop3A_295 = arith.mulf %parallel_loop3A_244, %parallel_loop3A_290 : vector<16xf32>
      %parallel_loop3A_296 = arith.addf %parallel_loop3A_294, %parallel_loop3A_295 : vector<16xf32>
      %parallel_loop3A_297 = arith.subf %parallel_loop3A_293, %parallel_loop3A_250 : vector<16xf32>
      %parallel_loop3A_298 = math.absf %parallel_loop3A_297 : vector<16xf32>
      %parallel_loop3A_299 = arith.addf %parallel_loop3A_238, %parallel_loop3A_298 : vector<16xf32>
      %parallel_loop3A_300 = arith.subf %parallel_loop3A_296, %parallel_loop3A_253 : vector<16xf32>
      %parallel_loop3A_301 = math.absf %parallel_loop3A_300 : vector<16xf32>
      %parallel_loop3A_302 = arith.addf %parallel_loop3A_299, %parallel_loop3A_301 : vector<16xf32>
      %parallel_loop3A_303 = arith.index_cast %parallel_loop3A_108 : i32 to index
      %parallel_loop3A_304 = arith.constant 48 : index
      %parallel_loop3A_305 = tpu.vector_load %arg11[%parallel_loop3A_303, %parallel_loop3A_304] {strides = array<i32>} : memref<128x128xf32, #tpu.memory_space<vmem>>, vector<16xf32>,
      %parallel_loop3A_306 = arith.index_cast %parallel_loop3A_108 : i32 to index
      %parallel_loop3A_307 = arith.constant 112 : index
      %parallel_loop3A_308 = tpu.vector_load %arg11[%parallel_loop3A_306, %parallel_loop3A_307] {strides = array<i32>} : memref<128x128xf32, #tpu.memory_space<vmem>>, vector<16xf32>,
      %parallel_loop3A_309 = arith.index_cast %parallel_loop3A_108 : i32 to index
      %parallel_loop3A_310 = arith.constant 48 : index
      %parallel_loop3A_311 = tpu.vector_load %arg13[%parallel_loop3A_309, %parallel_loop3A_310] {strides = array<i32>} : memref<128x64xf32, #tpu.memory_space<vmem>>, vector<16xf32>,
      %parallel_loop3A_312 = arith.index_cast %parallel_loop3A_108 : i32 to index
      %parallel_loop3A_313 = arith.constant 48 : index
      %parallel_loop3A_314 = tpu.vector_load %arg12[%parallel_loop3A_312, %parallel_loop3A_313] {strides = array<i32>} : memref<128x128xf32, #tpu.memory_space<vmem>>, vector<16xf32>,
      %parallel_loop3A_315 = arith.index_cast %parallel_loop3A_108 : i32 to index
      %parallel_loop3A_316 = arith.constant 112 : index
      %parallel_loop3A_317 = tpu.vector_load %arg12[%parallel_loop3A_315, %parallel_loop3A_316] {strides = array<i32>} : memref<128x128xf32, #tpu.memory_space<vmem>>, vector<16xf32>,
      %parallel_loop3A_318 = arith.constant 14.3615665 : f32
      %parallel_loop3A_319 = vector.broadcast %parallel_loop3A_318 : f32 to vector<16xf32>
      %parallel_loop3A_320 = arith.mulf %parallel_loop3A_311, %parallel_loop3A_319 : vector<16xf32>
      %parallel_loop3A_321 = arith.mulf %parallel_loop3A_320, %parallel_loop3A_320 : vector<16xf32>
      %parallel_loop3A_322 = arith.constant -1.47740444E-4 : f32
      %parallel_loop3A_323 = vector.broadcast %parallel_loop3A_322 : f32 to vector<16xf32>
      %parallel_loop3A_324 = arith.mulf %parallel_loop3A_323, %parallel_loop3A_321 : vector<16xf32>
      %parallel_loop3A_325 = arith.constant 0.00799857546 : f32
      %parallel_loop3A_326 = vector.broadcast %parallel_loop3A_325 : f32 to vector<16xf32>
      %parallel_loop3A_327 = arith.addf %parallel_loop3A_324, %parallel_loop3A_326 : vector<16xf32>
      %parallel_loop3A_328 = arith.mulf %parallel_loop3A_327, %parallel_loop3A_321 : vector<16xf32>
      %parallel_loop3A_329 = arith.constant -0.165838435 : f32
      %parallel_loop3A_330 = vector.broadcast %parallel_loop3A_329 : f32 to vector<16xf32>
      %parallel_loop3A_331 = arith.addf %parallel_loop3A_328, %parallel_loop3A_330 : vector<16xf32>
      %parallel_loop3A_332 = arith.mulf %parallel_loop3A_331, %parallel_loop3A_321 : vector<16xf32>
      %parallel_loop3A_333 = arith.constant 0.999450147 : f32
      %parallel_loop3A_334 = vector.broadcast %parallel_loop3A_333 : f32 to vector<16xf32>
      %parallel_loop3A_335 = arith.addf %parallel_loop3A_332, %parallel_loop3A_334 : vector<16xf32>
      %parallel_loop3A_336 = arith.mulf %parallel_loop3A_335, %parallel_loop3A_320 : vector<16xf32>
      %parallel_loop3A_337 = arith.constant 1.90652154E-5 : f32
      %parallel_loop3A_338 = vector.broadcast %parallel_loop3A_337 : f32 to vector<16xf32>
      %parallel_loop3A_339 = arith.mulf %parallel_loop3A_338, %parallel_loop3A_321 : vector<16xf32>
      %parallel_loop3A_340 = arith.constant -0.00134410686 : f32
      %parallel_loop3A_341 = vector.broadcast %parallel_loop3A_340 : f32 to vector<16xf32>
      %parallel_loop3A_342 = arith.addf %parallel_loop3A_339, %parallel_loop3A_341 : vector<16xf32>
      %parallel_loop3A_343 = arith.mulf %parallel_loop3A_342, %parallel_loop3A_321 : vector<16xf32>
      %parallel_loop3A_344 = arith.constant 0.0415223055 : f32
      %parallel_loop3A_345 = vector.broadcast %parallel_loop3A_344 : f32 to vector<16xf32>
      %parallel_loop3A_346 = arith.addf %parallel_loop3A_343, %parallel_loop3A_345 : vector<16xf32>
      %parallel_loop3A_347 = arith.mulf %parallel_loop3A_346, %parallel_loop3A_321 : vector<16xf32>
      %parallel_loop3A_348 = arith.constant -0.499837607 : f32
      %parallel_loop3A_349 = vector.broadcast %parallel_loop3A_348 : f32 to vector<16xf32>
      %parallel_loop3A_350 = arith.addf %parallel_loop3A_347, %parallel_loop3A_349 : vector<16xf32>
      %parallel_loop3A_351 = arith.mulf %parallel_loop3A_350, %parallel_loop3A_321 : vector<16xf32>
      %parallel_loop3A_352 = arith.constant 0.999971091 : f32
      %parallel_loop3A_353 = vector.broadcast %parallel_loop3A_352 : f32 to vector<16xf32>
      %parallel_loop3A_354 = arith.addf %parallel_loop3A_351, %parallel_loop3A_353 : vector<16xf32>
      %parallel_loop3A_355 = arith.mulf %parallel_loop3A_305, %parallel_loop3A_354 : vector<16xf32>
      %parallel_loop3A_356 = arith.mulf %parallel_loop3A_308, %parallel_loop3A_336 : vector<16xf32>
      %parallel_loop3A_357 = arith.subf %parallel_loop3A_355, %parallel_loop3A_356 : vector<16xf32>
      %parallel_loop3A_358 = arith.mulf %parallel_loop3A_305, %parallel_loop3A_336 : vector<16xf32>
      %parallel_loop3A_359 = arith.mulf %parallel_loop3A_308, %parallel_loop3A_354 : vector<16xf32>
      %parallel_loop3A_360 = arith.addf %parallel_loop3A_358, %parallel_loop3A_359 : vector<16xf32>
      %parallel_loop3A_361 = arith.subf %parallel_loop3A_357, %parallel_loop3A_314 : vector<16xf32>
      %parallel_loop3A_362 = math.absf %parallel_loop3A_361 : vector<16xf32>
      %parallel_loop3A_363 = arith.addf %parallel_loop3A_302, %parallel_loop3A_362 : vector<16xf32>
      %parallel_loop3A_364 = arith.subf %parallel_loop3A_360, %parallel_loop3A_317 : vector<16xf32>
      %parallel_loop3A_365 = math.absf %parallel_loop3A_364 : vector<16xf32>
      %parallel_loop3A_366 = arith.addf %parallel_loop3A_363, %parallel_loop3A_365 : vector<16xf32>
      %parallel_loop3A_367 = arith.constant true
      %parallel_loop3A_368 = vector.broadcast %parallel_loop3A_367 : i1 to vector<16xi1>
      %parallel_loop3A_369 = tpu.scan <sum>, %parallel_loop3A_366 masked %parallel_loop3A_368 : vector<16xf32>, vector<16xi1> -> vector<16xf32>
      %parallel_loop3A_370 = arith.constant 1.200000e+01 : f32
      %parallel_loop3A_371 = vector.broadcast %parallel_loop3A_370 : f32 to vector<16xf32>
      %parallel_loop3A_372 = arith.subf %parallel_loop3A_371, %parallel_loop3A_369 : vector<16xf32>
      %parallel_loop3A_373 = arith.index_cast %parallel_loop3A_108 : i32 to index
      %parallel_loop3A_374 = tpu.vector_load %arg14[%parallel_loop3A_373] masked %eq3A_55 {strides = array<i32>} : memref<144xf32, #tpu.memory_space<vmem>>, vector<16xf32>, vector<16xi1>
      tpu.vector_store %arg14[%parallel_loop3A_373], %parallel_loop3A_372 masked %eq3A_55 {strides = array<i32>} : memref<144xf32, #tpu.memory_space<vmem>>, vector<16xf32>, vector<16xi1>
    } {sc.loop_unroll_factor = 2 : i64, sc.parallel_access}
    %dma_wait3A_81 = arith.constant 64 : i32
    %dma_wait3A_82 = arith.constant 0 : i32
    %dma_wait3A_83 = tpu.memref_slice %arg11[%dma_wait3A_81, %dma_wait3A_82] : memref<128x128xf32, #tpu.memory_space<vmem>> -> memref<64x128xf32, #tpu.memory_space<vmem>>
    %dma_wait3A_84 = arith.constant 64 : i32
    %dma_wait3A_85 = tpu.memref_slice %arg8[%dma_wait3A_84] : memref<128xi32, #tpu.memory_space<vmem>> -> memref<64xi32, #tpu.memory_space<vmem>>
    %dma_wait3A_86 = arith.constant 0 : i32
    %dma_wait3A_87 = arith.constant 0 : i32
    %dma_wait3A_88 = tpu.memref_slice %arg5[%dma_wait3A_86, %dma_wait3A_87] : memref<1000000x128xf32, #tpu.memory_space<hbm>> -> memref<1000000x128xf32, #tpu.memory_space<hbm>>
    tpu.wait_indirect_dma semaphore(%arg16 : memref<!tpu.dma_semaphore, #tpu.memory_space<semaphore_mem>>) src(%dma_wait3A_88 : memref<1000000x128xf32, #tpu.memory_space<hbm>>) dst(%dma_wait3A_83 : memref<64x128xf32, #tpu.memory_space<vmem>>)
    %dma_wait3A_89 = arith.constant 64 : i32
    %dma_wait3A_90 = arith.constant 0 : i32
    %dma_wait3A_91 = tpu.memref_slice %arg12[%dma_wait3A_89, %dma_wait3A_90] : memref<128x128xf32, #tpu.memory_space<vmem>> -> memref<64x128xf32, #tpu.memory_space<vmem>>
    %dma_wait3A_92 = arith.constant 64 : i32
    %dma_wait3A_93 = tpu.memref_slice %arg9[%dma_wait3A_92] : memref<128xi32, #tpu.memory_space<vmem>> -> memref<64xi32, #tpu.memory_space<vmem>>
    %dma_wait3A_94 = arith.constant 0 : i32
    %dma_wait3A_95 = arith.constant 0 : i32
    %dma_wait3A_96 = tpu.memref_slice %arg5[%dma_wait3A_94, %dma_wait3A_95] : memref<1000000x128xf32, #tpu.memory_space<hbm>> -> memref<1000000x128xf32, #tpu.memory_space<hbm>>
    tpu.wait_indirect_dma semaphore(%arg16 : memref<!tpu.dma_semaphore, #tpu.memory_space<semaphore_mem>>) src(%dma_wait3A_96 : memref<1000000x128xf32, #tpu.memory_space<hbm>>) dst(%dma_wait3A_91 : memref<64x128xf32, #tpu.memory_space<vmem>>)
    %dma_wait3A_97 = arith.constant 64 : i32
    %dma_wait3A_98 = arith.constant 0 : i32
    %dma_wait3A_99 = tpu.memref_slice %arg13[%dma_wait3A_97, %dma_wait3A_98] : memref<128x64xf32, #tpu.memory_space<vmem>> -> memref<64x64xf32, #tpu.memory_space<vmem>>
    %dma_wait3A_100 = arith.constant 64 : i32
    %dma_wait3A_101 = tpu.memref_slice %arg10[%dma_wait3A_100] : memref<128xi32, #tpu.memory_space<vmem>> -> memref<64xi32, #tpu.memory_space<vmem>>
    %dma_wait3A_102 = arith.constant 0 : i32
    %dma_wait3A_103 = arith.constant 0 : i32
    %dma_wait3A_104 = tpu.memref_slice %arg6[%dma_wait3A_102, %dma_wait3A_103] : memref<1000x64xf32, #tpu.memory_space<hbm>> -> memref<1000x64xf32, #tpu.memory_space<hbm>>
    tpu.wait_indirect_dma semaphore(%arg16 : memref<!tpu.dma_semaphore, #tpu.memory_space<semaphore_mem>>) src(%dma_wait3A_104 : memref<1000x64xf32, #tpu.memory_space<hbm>>) dst(%dma_wait3A_99 : memref<64x64xf32, #tpu.memory_space<vmem>>)
    %parallel_loop3A_105 = arith.constant 64 : i32
    %parallel_loop3A_106 = arith.constant 128 : i32
    %parallel_loop3A_107 = arith.constant 1 : i32
    scf.for %parallel_loop3A_108 = %parallel_loop3A_105 to %parallel_loop3A_106 step %parallel_loop3A_107  : i32 {
      %parallel_loop3A_109 = arith.constant 0.000000e+00 : f32
      %parallel_loop3A_110 = vector.broadcast %parallel_loop3A_109 : f32 to vector<16xf32>
      %parallel_loop3A_111 = arith.index_cast %parallel_loop3A_108 : i32 to index
      %parallel_loop3A_112 = arith.constant 0 : index
      %parallel_loop3A_113 = tpu.vector_load %arg11[%parallel_loop3A_111, %parallel_loop3A_112] {strides = array<i32>} : memref<128x128xf32, #tpu.memory_space<vmem>>, vector<16xf32>,
      %parallel_loop3A_114 = arith.index_cast %parallel_loop3A_108 : i32 to index
      %parallel_loop3A_115 = arith.constant 64 : index
      %parallel_loop3A_116 = tpu.vector_load %arg11[%parallel_loop3A_114, %parallel_loop3A_115] {strides = array<i32>} : memref<128x128xf32, #tpu.memory_space<vmem>>, vector<16xf32>,
      %parallel_loop3A_117 = arith.index_cast %parallel_loop3A_108 : i32 to index
      %parallel_loop3A_118 = arith.constant 0 : index
      %parallel_loop3A_119 = tpu.vector_load %arg13[%parallel_loop3A_117, %parallel_loop3A_118] {strides = array<i32>} : memref<128x64xf32, #tpu.memory_space<vmem>>, vector<16xf32>,
      %parallel_loop3A_120 = arith.index_cast %parallel_loop3A_108 : i32 to index
      %parallel_loop3A_121 = arith.constant 0 : index
      %parallel_loop3A_122 = tpu.vector_load %arg12[%parallel_loop3A_120, %parallel_loop3A_121] {strides = array<i32>} : memref<128x128xf32, #tpu.memory_space<vmem>>, vector<16xf32>,
      %parallel_loop3A_123 = arith.index_cast %parallel_loop3A_108 : i32 to index
      %parallel_loop3A_124 = arith.constant 64 : index
      %parallel_loop3A_125 = tpu.vector_load %arg12[%parallel_loop3A_123, %parallel_loop3A_124] {strides = array<i32>} : memref<128x128xf32, #tpu.memory_space<vmem>>, vector<16xf32>,
      %parallel_loop3A_126 = arith.constant 14.3615665 : f32
      %parallel_loop3A_127 = vector.broadcast %parallel_loop3A_126 : f32 to vector<16xf32>
      %parallel_loop3A_128 = arith.mulf %parallel_loop3A_119, %parallel_loop3A_127 : vector<16xf32>
      %parallel_loop3A_129 = arith.mulf %parallel_loop3A_128, %parallel_loop3A_128 : vector<16xf32>
      %parallel_loop3A_130 = arith.constant -1.47740444E-4 : f32
      %parallel_loop3A_131 = vector.broadcast %parallel_loop3A_130 : f32 to vector<16xf32>
      %parallel_loop3A_132 = arith.mulf %parallel_loop3A_131, %parallel_loop3A_129 : vector<16xf32>
      %parallel_loop3A_133 = arith.constant 0.00799857546 : f32
      %parallel_loop3A_134 = vector.broadcast %parallel_loop3A_133 : f32 to vector<16xf32>
      %parallel_loop3A_135 = arith.addf %parallel_loop3A_132, %parallel_loop3A_134 : vector<16xf32>
      %parallel_loop3A_136 = arith.mulf %parallel_loop3A_135, %parallel_loop3A_129 : vector<16xf32>
      %parallel_loop3A_137 = arith.constant -0.165838435 : f32
      %parallel_loop3A_138 = vector.broadcast %parallel_loop3A_137 : f32 to vector<16xf32>
      %parallel_loop3A_139 = arith.addf %parallel_loop3A_136, %parallel_loop3A_138 : vector<16xf32>
      %parallel_loop3A_140 = arith.mulf %parallel_loop3A_139, %parallel_loop3A_129 : vector<16xf32>
      %parallel_loop3A_141 = arith.constant 0.999450147 : f32
      %parallel_loop3A_142 = vector.broadcast %parallel_loop3A_141 : f32 to vector<16xf32>
      %parallel_loop3A_143 = arith.addf %parallel_loop3A_140, %parallel_loop3A_142 : vector<16xf32>
      %parallel_loop3A_144 = arith.mulf %parallel_loop3A_143, %parallel_loop3A_128 : vector<16xf32>
      %parallel_loop3A_145 = arith.constant 1.90652154E-5 : f32
      %parallel_loop3A_146 = vector.broadcast %parallel_loop3A_145 : f32 to vector<16xf32>
      %parallel_loop3A_147 = arith.mulf %parallel_loop3A_146, %parallel_loop3A_129 : vector<16xf32>
      %parallel_loop3A_148 = arith.constant -0.00134410686 : f32
      %parallel_loop3A_149 = vector.broadcast %parallel_loop3A_148 : f32 to vector<16xf32>
      %parallel_loop3A_150 = arith.addf %parallel_loop3A_147, %parallel_loop3A_149 : vector<16xf32>
      %parallel_loop3A_151 = arith.mulf %parallel_loop3A_150, %parallel_loop3A_129 : vector<16xf32>
      %parallel_loop3A_152 = arith.constant 0.0415223055 : f32
      %parallel_loop3A_153 = vector.broadcast %parallel_loop3A_152 : f32 to vector<16xf32>
      %parallel_loop3A_154 = arith.addf %parallel_loop3A_151, %parallel_loop3A_153 : vector<16xf32>
      %parallel_loop3A_155 = arith.mulf %parallel_loop3A_154, %parallel_loop3A_129 : vector<16xf32>
      %parallel_loop3A_156 = arith.constant -0.499837607 : f32
      %parallel_loop3A_157 = vector.broadcast %parallel_loop3A_156 : f32 to vector<16xf32>
      %parallel_loop3A_158 = arith.addf %parallel_loop3A_155, %parallel_loop3A_157 : vector<16xf32>
      %parallel_loop3A_159 = arith.mulf %parallel_loop3A_158, %parallel_loop3A_129 : vector<16xf32>
      %parallel_loop3A_160 = arith.constant 0.999971091 : f32
      %parallel_loop3A_161 = vector.broadcast %parallel_loop3A_160 : f32 to vector<16xf32>
      %parallel_loop3A_162 = arith.addf %parallel_loop3A_159, %parallel_loop3A_161 : vector<16xf32>
      %parallel_loop3A_163 = arith.mulf %parallel_loop3A_113, %parallel_loop3A_162 : vector<16xf32>
      %parallel_loop3A_164 = arith.mulf %parallel_loop3A_116, %parallel_loop3A_144 : vector<16xf32>
      %parallel_loop3A_165 = arith.subf %parallel_loop3A_163, %parallel_loop3A_164 : vector<16xf32>
      %parallel_loop3A_166 = arith.mulf %parallel_loop3A_113, %parallel_loop3A_144 : vector<16xf32>
      %parallel_loop3A_167 = arith.mulf %parallel_loop3A_116, %parallel_loop3A_162 : vector<16xf32>
      %parallel_loop3A_168 = arith.addf %parallel_loop3A_166, %parallel_loop3A_167 : vector<16xf32>
      %parallel_loop3A_169 = arith.subf %parallel_loop3A_165, %parallel_loop3A_122 : vector<16xf32>
      %parallel_loop3A_170 = math.absf %parallel_loop3A_169 : vector<16xf32>
      %parallel_loop3A_171 = arith.addf %parallel_loop3A_110, %parallel_loop3A_170 : vector<16xf32>
      %parallel_loop3A_172 = arith.subf %parallel_loop3A_168, %parallel_loop3A_125 : vector<16xf32>
      %parallel_loop3A_173 = math.absf %parallel_loop3A_172 : vector<16xf32>
      %parallel_loop3A_174 = arith.addf %parallel_loop3A_171, %parallel_loop3A_173 : vector<16xf32>
      %parallel_loop3A_175 = arith.index_cast %parallel_loop3A_108 : i32 to index
      %parallel_loop3A_176 = arith.constant 16 : index
      %parallel_loop3A_177 = tpu.vector_load %arg11[%parallel_loop3A_175, %parallel_loop3A_176] {strides = array<i32>} : memref<128x128xf32, #tpu.memory_space<vmem>>, vector<16xf32>,
      %parallel_loop3A_178 = arith.index_cast %parallel_loop3A_108 : i32 to index
      %parallel_loop3A_179 = arith.constant 80 : index
      %parallel_loop3A_180 = tpu.vector_load %arg11[%parallel_loop3A_178, %parallel_loop3A_179] {strides = array<i32>} : memref<128x128xf32, #tpu.memory_space<vmem>>, vector<16xf32>,
      %parallel_loop3A_181 = arith.index_cast %parallel_loop3A_108 : i32 to index
      %parallel_loop3A_182 = arith.constant 16 : index
      %parallel_loop3A_183 = tpu.vector_load %arg13[%parallel_loop3A_181, %parallel_loop3A_182] {strides = array<i32>} : memref<128x64xf32, #tpu.memory_space<vmem>>, vector<16xf32>,
      %parallel_loop3A_184 = arith.index_cast %parallel_loop3A_108 : i32 to index
      %parallel_loop3A_185 = arith.constant 16 : index
      %parallel_loop3A_186 = tpu.vector_load %arg12[%parallel_loop3A_184, %parallel_loop3A_185] {strides = array<i32>} : memref<128x128xf32, #tpu.memory_space<vmem>>, vector<16xf32>,
      %parallel_loop3A_187 = arith.index_cast %parallel_loop3A_108 : i32 to index
      %parallel_loop3A_188 = arith.constant 80 : index
      %parallel_loop3A_189 = tpu.vector_load %arg12[%parallel_loop3A_187, %parallel_loop3A_188] {strides = array<i32>} : memref<128x128xf32, #tpu.memory_space<vmem>>, vector<16xf32>,
      %parallel_loop3A_190 = arith.constant 14.3615665 : f32
      %parallel_loop3A_191 = vector.broadcast %parallel_loop3A_190 : f32 to vector<16xf32>
      %parallel_loop3A_192 = arith.mulf %parallel_loop3A_183, %parallel_loop3A_191 : vector<16xf32>
      %parallel_loop3A_193 = arith.mulf %parallel_loop3A_192, %parallel_loop3A_192 : vector<16xf32>
      %parallel_loop3A_194 = arith.constant -1.47740444E-4 : f32
      %parallel_loop3A_195 = vector.broadcast %parallel_loop3A_194 : f32 to vector<16xf32>
      %parallel_loop3A_196 = arith.mulf %parallel_loop3A_195, %parallel_loop3A_193 : vector<16xf32>
      %parallel_loop3A_197 = arith.constant 0.00799857546 : f32
      %parallel_loop3A_198 = vector.broadcast %parallel_loop3A_197 : f32 to vector<16xf32>
      %parallel_loop3A_199 = arith.addf %parallel_loop3A_196, %parallel_loop3A_198 : vector<16xf32>
      %parallel_loop3A_200 = arith.mulf %parallel_loop3A_199, %parallel_loop3A_193 : vector<16xf32>
      %parallel_loop3A_201 = arith.constant -0.165838435 : f32
      %parallel_loop3A_202 = vector.broadcast %parallel_loop3A_201 : f32 to vector<16xf32>
      %parallel_loop3A_203 = arith.addf %parallel_loop3A_200, %parallel_loop3A_202 : vector<16xf32>
      %parallel_loop3A_204 = arith.mulf %parallel_loop3A_203, %parallel_loop3A_193 : vector<16xf32>
      %parallel_loop3A_205 = arith.constant 0.999450147 : f32
      %parallel_loop3A_206 = vector.broadcast %parallel_loop3A_205 : f32 to vector<16xf32>
      %parallel_loop3A_207 = arith.addf %parallel_loop3A_204, %parallel_loop3A_206 : vector<16xf32>
      %parallel_loop3A_208 = arith.mulf %parallel_loop3A_207, %parallel_loop3A_192 : vector<16xf32>
      %parallel_loop3A_209 = arith.constant 1.90652154E-5 : f32
      %parallel_loop3A_210 = vector.broadcast %parallel_loop3A_209 : f32 to vector<16xf32>
      %parallel_loop3A_211 = arith.mulf %parallel_loop3A_210, %parallel_loop3A_193 : vector<16xf32>
      %parallel_loop3A_212 = arith.constant -0.00134410686 : f32
      %parallel_loop3A_213 = vector.broadcast %parallel_loop3A_212 : f32 to vector<16xf32>
      %parallel_loop3A_214 = arith.addf %parallel_loop3A_211, %parallel_loop3A_213 : vector<16xf32>
      %parallel_loop3A_215 = arith.mulf %parallel_loop3A_214, %parallel_loop3A_193 : vector<16xf32>
      %parallel_loop3A_216 = arith.constant 0.0415223055 : f32
      %parallel_loop3A_217 = vector.broadcast %parallel_loop3A_216 : f32 to vector<16xf32>
      %parallel_loop3A_218 = arith.addf %parallel_loop3A_215, %parallel_loop3A_217 : vector<16xf32>
      %parallel_loop3A_219 = arith.mulf %parallel_loop3A_218, %parallel_loop3A_193 : vector<16xf32>
      %parallel_loop3A_220 = arith.constant -0.499837607 : f32
      %parallel_loop3A_221 = vector.broadcast %parallel_loop3A_220 : f32 to vector<16xf32>
      %parallel_loop3A_222 = arith.addf %parallel_loop3A_219, %parallel_loop3A_221 : vector<16xf32>
      %parallel_loop3A_223 = arith.mulf %parallel_loop3A_222, %parallel_loop3A_193 : vector<16xf32>
      %parallel_loop3A_224 = arith.constant 0.999971091 : f32
      %parallel_loop3A_225 = vector.broadcast %parallel_loop3A_224 : f32 to vector<16xf32>
      %parallel_loop3A_226 = arith.addf %parallel_loop3A_223, %parallel_loop3A_225 : vector<16xf32>
      %parallel_loop3A_227 = arith.mulf %parallel_loop3A_177, %parallel_loop3A_226 : vector<16xf32>
      %parallel_loop3A_228 = arith.mulf %parallel_loop3A_180, %parallel_loop3A_208 : vector<16xf32>
      %parallel_loop3A_229 = arith.subf %parallel_loop3A_227, %parallel_loop3A_228 : vector<16xf32>
      %parallel_loop3A_230 = arith.mulf %parallel_loop3A_177, %parallel_loop3A_208 : vector<16xf32>
      %parallel_loop3A_231 = arith.mulf %parallel_loop3A_180, %parallel_loop3A_226 : vector<16xf32>
      %parallel_loop3A_232 = arith.addf %parallel_loop3A_230, %parallel_loop3A_231 : vector<16xf32>
      %parallel_loop3A_233 = arith.subf %parallel_loop3A_229, %parallel_loop3A_186 : vector<16xf32>
      %parallel_loop3A_234 = math.absf %parallel_loop3A_233 : vector<16xf32>
      %parallel_loop3A_235 = arith.addf %parallel_loop3A_174, %parallel_loop3A_234 : vector<16xf32>
      %parallel_loop3A_236 = arith.subf %parallel_loop3A_232, %parallel_loop3A_189 : vector<16xf32>
      %parallel_loop3A_237 = math.absf %parallel_loop3A_236 : vector<16xf32>
      %parallel_loop3A_238 = arith.addf %parallel_loop3A_235, %parallel_loop3A_237 : vector<16xf32>
      %parallel_loop3A_239 = arith.index_cast %parallel_loop3A_108 : i32 to index
      %parallel_loop3A_240 = arith.constant 32 : index
      %parallel_loop3A_241 = tpu.vector_load %arg11[%parallel_loop3A_239, %parallel_loop3A_240] {strides = array<i32>} : memref<128x128xf32, #tpu.memory_space<vmem>>, vector<16xf32>,
      %parallel_loop3A_242 = arith.index_cast %parallel_loop3A_108 : i32 to index
      %parallel_loop3A_243 = arith.constant 96 : index
      %parallel_loop3A_244 = tpu.vector_load %arg11[%parallel_loop3A_242, %parallel_loop3A_243] {strides = array<i32>} : memref<128x128xf32, #tpu.memory_space<vmem>>, vector<16xf32>,
      %parallel_loop3A_245 = arith.index_cast %parallel_loop3A_108 : i32 to index
      %parallel_loop3A_246 = arith.constant 32 : index
      %parallel_loop3A_247 = tpu.vector_load %arg13[%parallel_loop3A_245, %parallel_loop3A_246] {strides = array<i32>} : memref<128x64xf32, #tpu.memory_space<vmem>>, vector<16xf32>,
      %parallel_loop3A_248 = arith.index_cast %parallel_loop3A_108 : i32 to index
      %parallel_loop3A_249 = arith.constant 32 : index
      %parallel_loop3A_250 = tpu.vector_load %arg12[%parallel_loop3A_248, %parallel_loop3A_249] {strides = array<i32>} : memref<128x128xf32, #tpu.memory_space<vmem>>, vector<16xf32>,
      %parallel_loop3A_251 = arith.index_cast %parallel_loop3A_108 : i32 to index
      %parallel_loop3A_252 = arith.constant 96 : index
      %parallel_loop3A_253 = tpu.vector_load %arg12[%parallel_loop3A_251, %parallel_loop3A_252] {strides = array<i32>} : memref<128x128xf32, #tpu.memory_space<vmem>>, vector<16xf32>,
      %parallel_loop3A_254 = arith.constant 14.3615665 : f32
      %parallel_loop3A_255 = vector.broadcast %parallel_loop3A_254 : f32 to vector<16xf32>
      %parallel_loop3A_256 = arith.mulf %parallel_loop3A_247, %parallel_loop3A_255 : vector<16xf32>
      %parallel_loop3A_257 = arith.mulf %parallel_loop3A_256, %parallel_loop3A_256 : vector<16xf32>
      %parallel_loop3A_258 = arith.constant -1.47740444E-4 : f32
      %parallel_loop3A_259 = vector.broadcast %parallel_loop3A_258 : f32 to vector<16xf32>
      %parallel_loop3A_260 = arith.mulf %parallel_loop3A_259, %parallel_loop3A_257 : vector<16xf32>
      %parallel_loop3A_261 = arith.constant 0.00799857546 : f32
      %parallel_loop3A_262 = vector.broadcast %parallel_loop3A_261 : f32 to vector<16xf32>
      %parallel_loop3A_263 = arith.addf %parallel_loop3A_260, %parallel_loop3A_262 : vector<16xf32>
      %parallel_loop3A_264 = arith.mulf %parallel_loop3A_263, %parallel_loop3A_257 : vector<16xf32>
      %parallel_loop3A_265 = arith.constant -0.165838435 : f32
      %parallel_loop3A_266 = vector.broadcast %parallel_loop3A_265 : f32 to vector<16xf32>
      %parallel_loop3A_267 = arith.addf %parallel_loop3A_264, %parallel_loop3A_266 : vector<16xf32>
      %parallel_loop3A_268 = arith.mulf %parallel_loop3A_267, %parallel_loop3A_257 : vector<16xf32>
      %parallel_loop3A_269 = arith.constant 0.999450147 : f32
      %parallel_loop3A_270 = vector.broadcast %parallel_loop3A_269 : f32 to vector<16xf32>
      %parallel_loop3A_271 = arith.addf %parallel_loop3A_268, %parallel_loop3A_270 : vector<16xf32>
      %parallel_loop3A_272 = arith.mulf %parallel_loop3A_271, %parallel_loop3A_256 : vector<16xf32>
      %parallel_loop3A_273 = arith.constant 1.90652154E-5 : f32
      %parallel_loop3A_274 = vector.broadcast %parallel_loop3A_273 : f32 to vector<16xf32>
      %parallel_loop3A_275 = arith.mulf %parallel_loop3A_274, %parallel_loop3A_257 : vector<16xf32>
      %parallel_loop3A_276 = arith.constant -0.00134410686 : f32
      %parallel_loop3A_277 = vector.broadcast %parallel_loop3A_276 : f32 to vector<16xf32>
      %parallel_loop3A_278 = arith.addf %parallel_loop3A_275, %parallel_loop3A_277 : vector<16xf32>
      %parallel_loop3A_279 = arith.mulf %parallel_loop3A_278, %parallel_loop3A_257 : vector<16xf32>
      %parallel_loop3A_280 = arith.constant 0.0415223055 : f32
      %parallel_loop3A_281 = vector.broadcast %parallel_loop3A_280 : f32 to vector<16xf32>
      %parallel_loop3A_282 = arith.addf %parallel_loop3A_279, %parallel_loop3A_281 : vector<16xf32>
      %parallel_loop3A_283 = arith.mulf %parallel_loop3A_282, %parallel_loop3A_257 : vector<16xf32>
      %parallel_loop3A_284 = arith.constant -0.499837607 : f32
      %parallel_loop3A_285 = vector.broadcast %parallel_loop3A_284 : f32 to vector<16xf32>
      %parallel_loop3A_286 = arith.addf %parallel_loop3A_283, %parallel_loop3A_285 : vector<16xf32>
      %parallel_loop3A_287 = arith.mulf %parallel_loop3A_286, %parallel_loop3A_257 : vector<16xf32>
      %parallel_loop3A_288 = arith.constant 0.999971091 : f32
      %parallel_loop3A_289 = vector.broadcast %parallel_loop3A_288 : f32 to vector<16xf32>
      %parallel_loop3A_290 = arith.addf %parallel_loop3A_287, %parallel_loop3A_289 : vector<16xf32>
      %parallel_loop3A_291 = arith.mulf %parallel_loop3A_241, %parallel_loop3A_290 : vector<16xf32>
      %parallel_loop3A_292 = arith.mulf %parallel_loop3A_244, %parallel_loop3A_272 : vector<16xf32>
      %parallel_loop3A_293 = arith.subf %parallel_loop3A_291, %parallel_loop3A_292 : vector<16xf32>
      %parallel_loop3A_294 = arith.mulf %parallel_loop3A_241, %parallel_loop3A_272 : vector<16xf32>
      %parallel_loop3A_295 = arith.mulf %parallel_loop3A_244, %parallel_loop3A_290 : vector<16xf32>
      %parallel_loop3A_296 = arith.addf %parallel_loop3A_294, %parallel_loop3A_295 : vector<16xf32>
      %parallel_loop3A_297 = arith.subf %parallel_loop3A_293, %parallel_loop3A_250 : vector<16xf32>
      %parallel_loop3A_298 = math.absf %parallel_loop3A_297 : vector<16xf32>
      %parallel_loop3A_299 = arith.addf %parallel_loop3A_238, %parallel_loop3A_298 : vector<16xf32>
      %parallel_loop3A_300 = arith.subf %parallel_loop3A_296, %parallel_loop3A_253 : vector<16xf32>
      %parallel_loop3A_301 = math.absf %parallel_loop3A_300 : vector<16xf32>
      %parallel_loop3A_302 = arith.addf %parallel_loop3A_299, %parallel_loop3A_301 : vector<16xf32>
      %parallel_loop3A_303 = arith.index_cast %parallel_loop3A_108 : i32 to index
      %parallel_loop3A_304 = arith.constant 48 : index
      %parallel_loop3A_305 = tpu.vector_load %arg11[%parallel_loop3A_303, %parallel_loop3A_304] {strides = array<i32>} : memref<128x128xf32, #tpu.memory_space<vmem>>, vector<16xf32>,
      %parallel_loop3A_306 = arith.index_cast %parallel_loop3A_108 : i32 to index
      %parallel_loop3A_307 = arith.constant 112 : index
      %parallel_loop3A_308 = tpu.vector_load %arg11[%parallel_loop3A_306, %parallel_loop3A_307] {strides = array<i32>} : memref<128x128xf32, #tpu.memory_space<vmem>>, vector<16xf32>,
      %parallel_loop3A_309 = arith.index_cast %parallel_loop3A_108 : i32 to index
      %parallel_loop3A_310 = arith.constant 48 : index
      %parallel_loop3A_311 = tpu.vector_load %arg13[%parallel_loop3A_309, %parallel_loop3A_310] {strides = array<i32>} : memref<128x64xf32, #tpu.memory_space<vmem>>, vector<16xf32>,
      %parallel_loop3A_312 = arith.index_cast %parallel_loop3A_108 : i32 to index
      %parallel_loop3A_313 = arith.constant 48 : index
      %parallel_loop3A_314 = tpu.vector_load %arg12[%parallel_loop3A_312, %parallel_loop3A_313] {strides = array<i32>} : memref<128x128xf32, #tpu.memory_space<vmem>>, vector<16xf32>,
      %parallel_loop3A_315 = arith.index_cast %parallel_loop3A_108 : i32 to index
      %parallel_loop3A_316 = arith.constant 112 : index
      %parallel_loop3A_317 = tpu.vector_load %arg12[%parallel_loop3A_315, %parallel_loop3A_316] {strides = array<i32>} : memref<128x128xf32, #tpu.memory_space<vmem>>, vector<16xf32>,
      %parallel_loop3A_318 = arith.constant 14.3615665 : f32
      %parallel_loop3A_319 = vector.broadcast %parallel_loop3A_318 : f32 to vector<16xf32>
      %parallel_loop3A_320 = arith.mulf %parallel_loop3A_311, %parallel_loop3A_319 : vector<16xf32>
      %parallel_loop3A_321 = arith.mulf %parallel_loop3A_320, %parallel_loop3A_320 : vector<16xf32>
      %parallel_loop3A_322 = arith.constant -1.47740444E-4 : f32
      %parallel_loop3A_323 = vector.broadcast %parallel_loop3A_322 : f32 to vector<16xf32>
      %parallel_loop3A_324 = arith.mulf %parallel_loop3A_323, %parallel_loop3A_321 : vector<16xf32>
      %parallel_loop3A_325 = arith.constant 0.00799857546 : f32
      %parallel_loop3A_326 = vector.broadcast %parallel_loop3A_325 : f32 to vector<16xf32>
      %parallel_loop3A_327 = arith.addf %parallel_loop3A_324, %parallel_loop3A_326 : vector<16xf32>
      %parallel_loop3A_328 = arith.mulf %parallel_loop3A_327, %parallel_loop3A_321 : vector<16xf32>
      %parallel_loop3A_329 = arith.constant -0.165838435 : f32
      %parallel_loop3A_330 = vector.broadcast %parallel_loop3A_329 : f32 to vector<16xf32>
      %parallel_loop3A_331 = arith.addf %parallel_loop3A_328, %parallel_loop3A_330 : vector<16xf32>
      %parallel_loop3A_332 = arith.mulf %parallel_loop3A_331, %parallel_loop3A_321 : vector<16xf32>
      %parallel_loop3A_333 = arith.constant 0.999450147 : f32
      %parallel_loop3A_334 = vector.broadcast %parallel_loop3A_333 : f32 to vector<16xf32>
      %parallel_loop3A_335 = arith.addf %parallel_loop3A_332, %parallel_loop3A_334 : vector<16xf32>
      %parallel_loop3A_336 = arith.mulf %parallel_loop3A_335, %parallel_loop3A_320 : vector<16xf32>
      %parallel_loop3A_337 = arith.constant 1.90652154E-5 : f32
      %parallel_loop3A_338 = vector.broadcast %parallel_loop3A_337 : f32 to vector<16xf32>
      %parallel_loop3A_339 = arith.mulf %parallel_loop3A_338, %parallel_loop3A_321 : vector<16xf32>
      %parallel_loop3A_340 = arith.constant -0.00134410686 : f32
      %parallel_loop3A_341 = vector.broadcast %parallel_loop3A_340 : f32 to vector<16xf32>
      %parallel_loop3A_342 = arith.addf %parallel_loop3A_339, %parallel_loop3A_341 : vector<16xf32>
      %parallel_loop3A_343 = arith.mulf %parallel_loop3A_342, %parallel_loop3A_321 : vector<16xf32>
      %parallel_loop3A_344 = arith.constant 0.0415223055 : f32
      %parallel_loop3A_345 = vector.broadcast %parallel_loop3A_344 : f32 to vector<16xf32>
      %parallel_loop3A_346 = arith.addf %parallel_loop3A_343, %parallel_loop3A_345 : vector<16xf32>
      %parallel_loop3A_347 = arith.mulf %parallel_loop3A_346, %parallel_loop3A_321 : vector<16xf32>
      %parallel_loop3A_348 = arith.constant -0.499837607 : f32
      %parallel_loop3A_349 = vector.broadcast %parallel_loop3A_348 : f32 to vector<16xf32>
      %parallel_loop3A_350 = arith.addf %parallel_loop3A_347, %parallel_loop3A_349 : vector<16xf32>
      %parallel_loop3A_351 = arith.mulf %parallel_loop3A_350, %parallel_loop3A_321 : vector<16xf32>
      %parallel_loop3A_352 = arith.constant 0.999971091 : f32
      %parallel_loop3A_353 = vector.broadcast %parallel_loop3A_352 : f32 to vector<16xf32>
      %parallel_loop3A_354 = arith.addf %parallel_loop3A_351, %parallel_loop3A_353 : vector<16xf32>
      %parallel_loop3A_355 = arith.mulf %parallel_loop3A_305, %parallel_loop3A_354 : vector<16xf32>
      %parallel_loop3A_356 = arith.mulf %parallel_loop3A_308, %parallel_loop3A_336 : vector<16xf32>
      %parallel_loop3A_357 = arith.subf %parallel_loop3A_355, %parallel_loop3A_356 : vector<16xf32>
      %parallel_loop3A_358 = arith.mulf %parallel_loop3A_305, %parallel_loop3A_336 : vector<16xf32>
      %parallel_loop3A_359 = arith.mulf %parallel_loop3A_308, %parallel_loop3A_354 : vector<16xf32>
      %parallel_loop3A_360 = arith.addf %parallel_loop3A_358, %parallel_loop3A_359 : vector<16xf32>
      %parallel_loop3A_361 = arith.subf %parallel_loop3A_357, %parallel_loop3A_314 : vector<16xf32>
      %parallel_loop3A_362 = math.absf %parallel_loop3A_361 : vector<16xf32>
      %parallel_loop3A_363 = arith.addf %parallel_loop3A_302, %parallel_loop3A_362 : vector<16xf32>
      %parallel_loop3A_364 = arith.subf %parallel_loop3A_360, %parallel_loop3A_317 : vector<16xf32>
      %parallel_loop3A_365 = math.absf %parallel_loop3A_364 : vector<16xf32>
      %parallel_loop3A_366 = arith.addf %parallel_loop3A_363, %parallel_loop3A_365 : vector<16xf32>
      %parallel_loop3A_367 = arith.constant true
      %parallel_loop3A_368 = vector.broadcast %parallel_loop3A_367 : i1 to vector<16xi1>
      %parallel_loop3A_369 = tpu.scan <sum>, %parallel_loop3A_366 masked %parallel_loop3A_368 : vector<16xf32>, vector<16xi1> -> vector<16xf32>
      %parallel_loop3A_370 = arith.constant 1.200000e+01 : f32
      %parallel_loop3A_371 = vector.broadcast %parallel_loop3A_370 : f32 to vector<16xf32>
      %parallel_loop3A_372 = arith.subf %parallel_loop3A_371, %parallel_loop3A_369 : vector<16xf32>
      %parallel_loop3A_373 = arith.index_cast %parallel_loop3A_108 : i32 to index
      %parallel_loop3A_374 = tpu.vector_load %arg14[%parallel_loop3A_373] masked %eq3A_55 {strides = array<i32>} : memref<144xf32, #tpu.memory_space<vmem>>, vector<16xf32>, vector<16xi1>
      tpu.vector_store %arg14[%parallel_loop3A_373], %parallel_loop3A_372 masked %eq3A_55 {strides = array<i32>} : memref<144xf32, #tpu.memory_space<vmem>>, vector<16xf32>, vector<16xi1>
    } {sc.loop_unroll_factor = 2 : i64, sc.parallel_access}
    "tpu.region"() ({
      %run_scoped3A = tpu.sem_alloc : memref<!tpu.dma_semaphore, #tpu.memory_space<semaphore_mem>>
      %dma_start3A_108 = arith.constant 0 : i32
      %dma_start3A_109 = tpu.memref_slice %arg14[%dma_start3A_108] : memref<144xf32, #tpu.memory_space<vmem>> -> memref<128xf32, #tpu.memory_space<vmem>>
      %dma_start3A_110 = tpu.memref_slice %arg7[%mul3A_2] : memref<4096xf32, #tpu.memory_space<hbm>> -> memref<128xf32, #tpu.memory_space<hbm>>
      %dma_start3A_111 = tpu.memref_slice %arg7[%mul3A_2] : memref<4096xf32, #tpu.memory_space<hbm>> -> memref<128xf32, #tpu.memory_space<hbm>>
      %dma_start3A_112 = arith.constant 0 : i32
      %dma_start3A_113 = tpu.memref_slice %arg14[%dma_start3A_112] : memref<144xf32, #tpu.memory_space<vmem>> -> memref<128xf32, #tpu.memory_space<vmem>>
      tpu.enqueue_dma source(%dma_start3A_113 : memref<128xf32, #tpu.memory_space<vmem>>) target(%dma_start3A_111 : memref<128xf32, #tpu.memory_space<hbm>>) target_semaphore(%run_scoped3A : memref<!tpu.dma_semaphore, #tpu.memory_space<semaphore_mem>>)
      %dma_wait3A_114 = arith.constant 0 : i32
      %dma_wait3A_115 = tpu.memref_slice %arg14[%dma_wait3A_114] : memref<144xf32, #tpu.memory_space<vmem>> -> memref<128xf32, #tpu.memory_space<vmem>>
      %dma_wait3A_116 = tpu.memref_slice %arg7[%mul3A_2] : memref<4096xf32, #tpu.memory_space<hbm>> -> memref<128xf32, #tpu.memory_space<hbm>>
      %dma_wait3A_117 = tpu.memref_slice %arg7[%mul3A_2] : memref<4096xf32, #tpu.memory_space<hbm>> -> memref<128xf32, #tpu.memory_space<hbm>>
      %dma_wait3A_118 = arith.constant 0 : i32
      %dma_wait3A_119 = tpu.memref_slice %arg14[%dma_wait3A_118] : memref<144xf32, #tpu.memory_space<vmem>> -> memref<128xf32, #tpu.memory_space<vmem>>
      tpu.wait_dma2 semaphore(%run_scoped3A : memref<!tpu.dma_semaphore, #tpu.memory_space<semaphore_mem>>) src(%dma_wait3A_119 : memref<128xf32, #tpu.memory_space<vmem>>) dst(%dma_wait3A_117 : memref<128xf32, #tpu.memory_space<hbm>>)
      tpu.yield
    }) : () -> ()
    return
  }
}

</mosaic_0001>

<sc_bundles>
// kernel: kernel.3.cloned.1.call-start
scs
__scs_entry_jumppad:
0x0: {  	(pc) =	sbr.rel $0x88, $3  }
0x1: {  	(tag) =	ssettag $0x0;
	lr =	simm.s32 $0x1  }
0x2: {  	[smem:$0x3F9C] =	sst lr;
	_ =	strace $0xD0000000  }
0x3: {  	_ = 	snop  }
0x4: {  	_ = 	snop  }
0x5: {  	_ = 	snop  }
0x6: {  	_ = 	snop  }
0x7: {  	_ = 	snop  }
__scs_overlays_trampoline_lowered:
0x8: {  	[smem:$0x3FAB] =	sst s0  }
0x9: {  	[smem:$0x3FAC] =	sst s1  }
0xa: {  	[smem:$0x3FAD] =	sst s2  }
0xb: {  	[smem:$0x3FAE] =	sst s3  }
0xc: {  	[smem:$0x3FAF] =	sst s4  }
0xd: {  	[smem:$0x3FB0] =	sst s5  }
0xe: {  	[smem:$0x3FB1] =	sst s6  }
0xf: {  	[smem:$0x3FB2] =	sst s7  }
0x10: {  	[smem:$0x3FB3] =	sst s8  }
0x11: {  	[smem:$0x3FB4] =	sst s9;
	s0 =	simm.s32 @!p0 $0x0  }
0x12: {  	s1 =	sld [smem:$0x3F9A];
	s0 =	simm.s32 @p0 $0x1  }
0x13: {  	[smem:$0x3FB5] =	sst s0;
	s0 =	simm.s32 @!p1 $0x0  }
0x14: {  	s2 =	sld [smem:$0x3F99];
	s0 =	simm.s32 @p1 $0x1  }
0x15: {  	[smem:$0x3FB6] =	sst s0;
	s0 =	simm.s32 @!p2 $0x0  }
0x16: {  	s3 =	sld [smem:$0x3FDB];
	s0 =	simm.s32 @p2 $0x1  }
0x17: {  	s4 =	simm.s32 $0x1BF5;
	[smem:$0x3FB8] =	sst s0  }
0x18: {  	s0 =	sld [smem:$0x3F9B];
	_ =	swait.ge [sflag:s4], $0x0  }
0x19: {  	s7 =	sld [smem:$0x3F9C]  }
0x1a: {  	s8 =	sadd.s32 $0xFFFFE003, lr  }
0x1b: {  	s9 =	sadd.s32 $0xFFFFFEF7, lr;
	s5 =	simm.s32 $0xFFFFFFFF;
	p2 =	slt.u32 s8, $0xFFFFF086  }
0x1c: {  	p1 =	slt.u32 s9, $0xF7A;
	s5 =	simm.s32 @!p2 $0x0  }
0x1d: {  	s5 =	simm.s32 @p1 $0x1;
	p0 =	seq.s32 s7, s2  }
0x1e: {  	s7 =	smul.u32 @!p0 $0xF7A, s2;
	p2 =	seq.s32 @!p0 s5, $0x0  }
0x1f: {  	s9 =	smul.u32 $0xF7A, s1;
	s8 =	simm.s32 @!p0 $0x1BF5;
	p2 =	por !p2, p0  }
0x20: {  	[sflag:s8] =	ssyncset.s32 @!p0 $0xFFFFF086;
	s6 =	sadd.s32 @!p0 s3, s7;
	s7 =	simm.s32 @!p0 $0x108  }
0x21: {  	s3 =	sadd.s32 s3, s9;
	s6 =	sadd.s32 @!p0 $0x88, s6;
	s7 =	simm.s32 @p2 $0x1082  }
0x22: {  	[simem:s7], [sflag:s8] =	dma.local @!p0 [hbm:s6], $0xF7A  }
0x23: {  	s9 =	sor.u32 $0xD0000000, s2;
	s6 =	simm.s32 $0x108;
	_ =	swait.ge @!p0 [sflag:s8], $0x0  }
0x24: {  	s3 =	sadd.s32 $0x88, s3;
	s6 =	simm.s32 @!p1 $0x1082;
	[sflag:s4] =	ssyncset.s32 $0xFFFFF086  }
0x25: {  	[simem:s6], [sflag:s4] =	dma.local [hbm:s3], $0xF7A  }
0x26: {  	[smem:$0x3F9C] =	sst s1;
	(tag) =	ssettag s2;
	_ =	strace s9  }
0x27: {  	s1 =	sld [smem:$0x3FAC]  }
0x28: {  	s2 =	sld [smem:$0x3FAD]  }
0x29: {  	s4 =	sld [smem:$0x3FAF]  }
0x2a: {  	p0 =	seq.s32 s5, $0x0;
	s5 =	sld [smem:$0x3FB0]  }
0x2b: {  	s6 =	sld [smem:$0x3FB1]  }
0x2c: {  	s7 =	sld [smem:$0x3FB2]  }
0x2d: {  	s3 =	simm.s32 $0x108;
	s8 =	sld [smem:$0x3FB3]  }
0x2e: {  	s3 =	simm.s32 @!p0 $0x1082;
	s9 =	sld [smem:$0x3FB4]  }
0x2f: {  	lr =	sadd.s32 s0, s3;
	s0 =	sld [smem:$0x3FAB]  }
0x30: {  	s3 =	sld [smem:$0x3FAE]  }
0x31: {  	[smem:$0x3FB7] =	sst s10  }
0x32: {  	s10 =	sld [smem:$0x3FB5];
	_ =	sdelay $0x3  }
0x33: {  	p0 =	seq.s32 s10, $0x1;
	s10 =	sld [smem:$0x3FB7];
	_ =	sdelay $0x3  }
0x34: {  	[smem:$0x3FB7] =	sst s10  }
0x35: {  	s10 =	sld [smem:$0x3FB6];
	_ =	sdelay $0x3  }
0x36: {  	p1 =	seq.s32 s10, $0x1;
	s10 =	sld [smem:$0x3FB7];
	_ =	sdelay $0x3  }
0x37: {  	[smem:$0x3FB7] =	sst s10  }
0x38: {  	s10 =	sld [smem:$0x3FB8]  }
0x39: {  	_ = 	snop;
	(pc) =	sbr.ind lr, $3  }
0x3a: {  	_ = 	snop  }
0x3b: {  	_ = 	snop  }
0x3c: {  	p2 =	seq.s32 s10, $0x1;
	s10 =	sld [smem:$0x3FB7]  }
0x3d: {  	_ =	shalt  }
0x3e: {  	_ =	shalt  }
0x3f: {  	_ =	shalt  }
0x40: {  	_ =	shalt  }
0x41: {  	_ =	shalt  }
0x42: {  	_ =	shalt  }
0x43: {  	_ =	shalt  }
0x44: {  	_ =	shalt  }
0x45: {  	_ =	shalt  }
0x46: {  	_ =	shalt  }
0x47: {  	_ =	shalt  }
0x48: {  	_ =	shalt  }
0x49: {  	_ =	shalt  }
0x4a: {  	_ =	shalt  }
0x4b: {  	_ =	shalt  }
0x4c: {  	_ =	shalt  }
0x4d: {  	_ =	shalt  }
0x4e: {  	_ =	shalt  }
0x4f: {  	_ =	shalt  }
0x50: {  	_ =	shalt  }
0x51: {  	_ =	shalt  }
0x52: {  	_ =	shalt  }
0x53: {  	_ =	shalt  }
0x54: {  	_ =	shalt  }
0x55: {  	_ =	shalt  }
0x56: {  	_ =	shalt  }
0x57: {  	_ =	shalt  }
0x58: {  	_ =	shalt  }
0x59: {  	_ =	shalt  }
0x5a: {  	_ =	shalt  }
0x5b: {  	_ =	shalt  }
0x5c: {  	_ =	shalt  }
0x5d: {  	_ =	shalt  }
0x5e: {  	_ =	shalt  }
0x5f: {  	_ =	shalt  }
0x60: {  	_ =	shalt  }
0x61: {  	_ =	shalt  }
0x62: {  	_ =	shalt  }
0x63: {  	_ =	shalt  }
0x64: {  	_ =	shalt  }
0x65: {  	_ =	shalt  }
0x66: {  	_ =	shalt  }
0x67: {  	_ =	shalt  }
0x68: {  	_ =	shalt  }
0x69: {  	_ =	shalt  }
0x6a: {  	_ =	shalt  }
0x6b: {  	_ =	shalt  }
0x6c: {  	_ =	shalt  }
0x6d: {  	_ =	shalt  }
0x6e: {  	_ =	shalt  }
0x6f: {  	_ =	shalt  }
0x70: {  	_ =	shalt  }
0x71: {  	_ =	shalt  }
0x72: {  	_ =	shalt  }
0x73: {  	_ =	shalt  }
0x74: {  	_ =	shalt  }
0x75: {  	_ =	shalt  }
0x76: {  	_ =	shalt  }
0x77: {  	_ =	shalt  }
0x78: {  	_ =	shalt  }
0x79: {  	_ =	shalt  }
0x7a: {  	_ =	shalt  }
0x7b: {  	_ =	shalt  }
0x7c: {  	_ =	shalt  }
0x7d: {  	_ =	shalt  }
0x7e: {  	_ =	shalt  }
0x7f: {  	_ =	shalt  }
0x80: {  	_ =	shalt  }
0x81: {  	_ =	shalt  }
0x82: {  	_ =	shalt  }
0x83: {  	_ =	shalt  }
0x84: {  	_ =	shalt  }
0x85: {  	_ =	shalt  }
0x86: {  	_ =	shalt  }
0x87: {  	_ =	shalt  }
.Lfunc_end0:
.L_simem_size_0:
called_computation_lowered:
.L_overlay_start_0:
0x88: {  	s2 =	sld [smem:$0x3FD9]  }
0x89: {  	s3 =	sld [smem:$0x3FFE];
	_ =	sdelay $0x1  }
0x8a: {  	s1 =	srdreg.scid  }
0x8b: {  	s0 =	sand.u32 $0x1, s1  }
0x8c: {  	s17 =	sshll.u32 s0, $0xA;
	s2 =	sadd.s32 s3, s2  }
0x8d: {  	s2 =	sadd.s32 s2, s17  }
0x8e: {  	[smem:$0x3FC3] =	sst s2  }
0x8f: {  	_ = 	snop  }
0x90: {  	s2 =	sld [smem:$0x3FC9]  }
0x91: {  	s18 =	sld [smem:$0x3FC8]  }
0x92: {  	s4 =	sld [smem:$0x3FC7]  }
0x93: {  	s5 =	sld [smem:$0x3FC6]  }
0x94: {  	s6 =	sld [smem:$0x3FD0];
	(tm) =	ssettm $0x1  }
0x95: {  	s7 =	sld [smem:$0x3FFB];
	_ =	sdelay $0x3  }
0x96: {  	_ =	strace s7  }
0x97: {  	s7 =	sld [smem:$0x3FFC];
	_ =	sdelay $0x3  }
0x98: {  	_ =	strace s7  }
0x99: {  	s7 =	sld [smem:$0x3FFD];
	_ =	sdelay $0x3  }
0x9a: {  	_ =	strace s7  }
0x9b: {  	_ =	strace $0x8FFFFFFF  }
0x9c: {  	s19 =	sld [smem:$0x3FDB];
	_ =	sdelay $0x1  }
0x9d: {  	s8 =	simm.s32 $_scs_section_size  }
0x9e: {  	s9 =	simm.s32 $_size__tile_overlayer_lowered;
	s10 =	simm.s32 $_tile_overlayer_lowered  }
0x9f: {  	s22 =	simm.s32 $0x1BFF;
	s21 =	sshll.u32 s10, $0x1;
	s7 =	sadd.s32 s8, s19  }
0xa0: {  	s11 =	simm.s32 $0x0;
	s20 =	sshll.u32 s9, $0x1;
	s9 =	sadd.s32 s21, s7  }
0xa1: {  	[timem:s11], [sflag:s22] =	dma.local [hbm:s9], s20  }
0xa2: {  	_ =	swait.ge [sflag:s22], s20  }
0xa3: {  	s8 =	ssub.s32 $0x0, s20;
	[sflag:s22] =	ssyncset.done $0x0  }
0xa4: {  	[sflag:s22] =	ssyncadd.s32 s8;
	_ =	sdelay $0x1  }
0xa5: {  	s23 =	simm.s32 $0x1B8B  }
0xa6: {  	_ =	swait.ge [sflag:s23], $0x1  }
0xa7: {  	[sflag:s23] =	ssyncset.done $0x0  }
0xa8: {  	s25 =	simm.s32 $0x1B8E;
	s24 =	sld [smem:$0x3FFE];
	[sflag:s23] =	ssyncadd.s32 $0xFFFFFFFF  }
0xa9: {  	s26 =	simm.s32 $execute0_lowered;
	[smem:$0x3FD2] =	sst s25  }
0xaa: {  	s9 =	sshll.u32 s26, $0x1;
	_ =	strace $0x80000046;
	[dreg:$0x1] =	wrdreg $0xFFFFFFFF  }
0xab: {  	s28 =	simm.s32 $_size_execute0_lowered;
	s7 =	sadd.s32 s7, s9;
	[dreg:$0x0] =	wrdreg $0x0  }
0xac: {  	s9 =	sshll.u32 s28, $0x1;
	[dreg:$0x2] =	wrdreg s7  }
0xad: {  	[dreg:$0x3] =	wrdreg s9  }
0xae: {  	[dreg:$0x4] =	wrdreg $0xC0  }
0xaf: {  	_ =	task [dreg:s11], $0x5FFFF  }
0xb0: {  	[dreg:$0x1] =	wrdreg $0xFFFFFFFF  }
0xb1: {  	[dreg:$0x0] =	wrdreg $0x60  }
0xb2: {  	[dreg:$0x2] =	wrdreg s2  }
0xb3: {  	[dreg:$0x3] =	wrdreg s18  }
0xb4: {  	[dreg:$0x4] =	wrdreg s4  }
0xb5: {  	[dreg:$0x5] =	wrdreg s5  }
0xb6: {  	[dreg:$0x6] =	wrdreg s24  }
0xb7: {  	[dreg:$0x7] =	wrdreg s6  }
0xb8: {  	[dreg:$0x8] =	wrdreg $0x9  }
0xb9: {  	_ =	task.clear_ibuf [dreg:s11], $0x9FFFF;
	_ =	strace $0x90000046  }
0xba: {  	s29 =	simm.s32 $0x9;
	_ =	strace $0x80000048  }
0xbb: {  	_ =	swait.ge [sflag:s29], $0x1  }
0xbc: {  	[sflag:s29] =	ssyncadd.s32 $0xFFFFFFFF  }
0xbd: {  	_ =	strace $0x90000048  }
0xbe: {  	_ =	sfence  }
0xbf: {  	s30 =	sld [smem:$0x0];
	_ =	sdelay $0x2  }
0xc0: {  	s31 =	sshll.u32 s1, $0xD;
	s1 =	sshrl.u32 s1, $0x2  }
0xc1: {  	s3 =	sand.u32 $0x4000, s31;
	s1 =	sadd.s32 s1, s30  }
0xc2: {  	s0 =	sor.u32 s3, s0;
	s1 =	sshll.u32 s1, $0x11  }
0xc3: {  	s0 =	sor.u32 s1, s0  }
0xc4: {  	s0 =	sadd.s32 $0x8F2B, s0  }
0xc5: {  	[sflag:s0] =	ssyncadd.remote.s32 $0x1  }
0xc6: {  	_ =	sfence.sel $0xFFFF  }
0xc7: {  	[dreg:$0x0] =	wrdreg $0xFFFFFFFF;
	(pc) =	sbr.abs _section_cstart, $3  }
0xc8: {  	[dreg:$0x1] =	wrdreg $0xFFFFFFFF  }
0xc9: {  	_ =	task.clear_ibuf [dreg:s11], $0x2FFFF;
	_ =	strace $0x9FFFFFFF  }
0xca: {  	(tm) =	ssettm $0x7FFFFFFF  }
0xcb: {  	_ =	shalt  }
tec
execute0_lowered:
.L_overlay_start_1:
0x0: {  	(tag) =	ssettag $0x1  }
0x1: {  	s0 =	rddreg [dreg:$0x0]  }
0x2: {  	s2 =	rddreg [dreg:$0x1]  }
0x3: {  	s9 =	rddreg [dreg:$0x2]  }
0x4: {  	s1 =	rddreg [dreg:$0x3]  }
0x5: {  	s4 =	rddreg [dreg:$0x4]  }
0x6: {  	s11 =	rddreg [dreg:$0x5];
	s3 =	simm.s32 $0x0  }
0x7: {  	s5 =	srdreg.scid;
	s7 =	stileid.u32;
	s14 =	simm.s32 $0x80  }
0x8: {  	s15 =	simm.s32 $0x100;
	s16 =	simm.s32 $0x40;
	s18 =	simm.s32 $0x4180  }
0x9: {  	s19 =	simm.s32 $0x8180;
	s20 =	simm.s32 $0xC0;
	s21 =	simm.s32 $0x140  }
0xa: {  	s22 =	simm.s32 $0x2180;
	s23 =	simm.s32 $0x6180;
	s24 =	simm.s32 $0x9180  }
0xb: {  	s25 =	simm.s32 $0x1;
	s26 =	simm.s32 $0x2;
	s28 =	simm.s32 $0xA180  }
0xc: {  	s29 =	simm.s32 $0x0;
	[smem:$0x7FF] =	sst s3;
	s5 =	sand.u32 $0x1, s5  }
0xd: {  	s7 =	sshll.u32 s7, $0x5;
	s6 =	ssub.s32 $0x2, s5;
	s5 =	sshll.u32 s5, $0x4  }
0xe: {  	s4 =	sadd.s32 $0x400, s4;
	s8 =	sshrl.u32 s6, $0x1;
	s12 =	sor.u32 s5, s7  }
0xf: {  	_ =	strace $0x80000047;
	s13 =	ssub.s32 s6, s8;
	s5 =	sadd.s32 s0, s12  }
0x10: {  	s6 =	sadd.s32 s9, s12;
	s7 =	sadd.s32 s2, s12;
	s10 =	sor.u32 $0x8, s12  }
0x11: {  	s11 =	sadd.s32 s11, s12;
	s8 =	sadd.s32 s0, s10;
	s9 =	sadd.s32 s9, s10  }
0x12: {  	vm0 =	vcmask $0x3F3C;
	s10 =	sadd.s32 s2, s10;
	s12 =	smax.u32 s13, $0x1;
	s13 =	simm.s32 $0x3  }
.LBB2_1:
0x13: {  	[tilespmem:s3], [sflag:$0x3] =	stream.linear.gather [hbm4b:s5+s3], $0x40, $0x38;
	[tilespmem:$0xA210] =	vst v63  }
0x14: {  	_ =	swait.ge [sflag:s13], $0x40  }
0x15: {  	[sflag:s13] =	ssyncset.done $0x0  }
0x16: {  	[sflag:s13] =	ssyncadd.s32 $0xFFFFFFC0  }
0x17: {  	[tilespmem:s14], [sflag:$0x3] =	stream.linear.gather [hbm4b:s6+s3], $0x40, $0x38;
	[tilespmem:$0xA210] =	vst v63  }
0x18: {  	_ =	swait.ge [sflag:s13], $0x40  }
0x19: {  	[sflag:s13] =	ssyncset.done $0x0  }
0x1a: {  	[sflag:s13] =	ssyncadd.s32 $0xFFFFFFC0  }
0x1b: {  	[tilespmem:s15], [sflag:$0x3] =	stream.linear.gather [hbm4b:s7+s3], $0x40, $0x38;
	[tilespmem:$0xA210] =	vst v63  }
0x1c: {  	_ =	swait.ge [sflag:s13], $0x40  }
0x1d: {  	[sflag:s13] =	ssyncset.done $0x0  }
0x1e: {  	s0 =	simm.s32 $0x180;
	[sflag:s13] =	ssyncadd.s32 $0xFFFFFFC0  }
0x1f: {  	[tilespmem:s0], [sflag:$0x1] =	stream.indirect.gather [hbm4b:s1+s16], $0x80, s3, s16, $0xb8;
	[tilespmem:$0xA210] =	vst v63  }
0x20: {  	_ = 	snop  }
0x21: {  	[tilespmem:s18], [sflag:$0x1] =	stream.indirect.gather [hbm4b:s1+s16], $0x80, s14, s16, $0xb8;
	[tilespmem:$0xA210] =	vst v63  }
0x22: {  	_ = 	snop  }
0x23: {  	[tilespmem:s19], [sflag:$0x1] =	stream.indirect.gather [hbm4b:s4+s16], $0x40, s15, s16, $0xb8;
	[tilespmem:$0xA210] =	vst v63  }
0x24: {  	_ = 	snop  }
0x25: {  	[tilespmem:s16], [sflag:$0x3] =	stream.linear.gather [hbm4b:s8+s3], $0x40, $0x38;
	[tilespmem:$0xA210] =	vst v63  }
0x26: {  	_ =	swait.ge [sflag:s13], $0x40  }
0x27: {  	[sflag:s13] =	ssyncset.done $0x0  }
0x28: {  	[sflag:s13] =	ssyncadd.s32 $0xFFFFFFC0  }
0x29: {  	[tilespmem:s20], [sflag:$0x3] =	stream.linear.gather [hbm4b:s9+s3], $0x40, $0x38;
	[tilespmem:$0xA210] =	vst v63  }
0x2a: {  	_ =	swait.ge [sflag:s13], $0x40  }
0x2b: {  	[sflag:s13] =	ssyncset.done $0x0  }
0x2c: {  	[sflag:s13] =	ssyncadd.s32 $0xFFFFFFC0  }
0x2d: {  	[tilespmem:s21], [sflag:$0x3] =	stream.linear.gather [hbm4b:s10+s3], $0x40, $0x38;
	[tilespmem:$0xA210] =	vst v63  }
0x2e: {  	_ =	swait.ge [sflag:s13], $0x40  }
0x2f: {  	[sflag:s13] =	ssyncset.done $0x0  }
0x30: {  	[sflag:s13] =	ssyncadd.s32 $0xFFFFFFC0  }
0x31: {  	[tilespmem:s22], [sflag:$0x2] =	stream.indirect.gather [hbm4b:s1+s16], $0x80, s16, s16, $0xb8;
	[tilespmem:$0xA210] =	vst v63  }
0x32: {  	_ = 	snop  }
0x33: {  	[tilespmem:s23], [sflag:$0x2] =	stream.indirect.gather [hbm4b:s1+s16], $0x80, s20, s16, $0xb8;
	[tilespmem:$0xA210] =	vst v63  }
0x34: {  	_ = 	snop  }
0x35: {  	[tilespmem:s24], [sflag:$0x2] =	stream.indirect.gather [hbm4b:s4+s16], $0x40, s21, s16, $0xb8;
	[tilespmem:$0xA210] =	vst v63  }
0x36: {  	_ =	swait.ge [sflag:s25], $0x2000  }
0x37: {  	[sflag:s25] =	ssyncset.done $0x0  }
0x38: {  	[sflag:s25] =	ssyncadd.s32 $0xFFFFE000  }
0x39: {  	_ =	swait.ge [sflag:s25], $0x2000  }
0x3a: {  	[sflag:s25] =	ssyncset.done $0x0  }
0x3b: {  	[sflag:s25] =	ssyncadd.s32 $0xFFFFE000  }
0x3c: {  	_ =	swait.ge [sflag:s25], $0x1000  }
0x3d: {  	[sflag:s25] =	ssyncset.done $0x0  }
0x3e: {  	s17 =	simm.s32 $0x81C0;
	[sflag:s25] =	ssyncadd.s32 $0xFFFFF000  }
0x3f: {  	v0 =	vld [tilespmem:s17+$0x30]  }
0x40: {  	v1 =	vld [tilespmem:s17+$0x20]  }
0x41: {  	v2 =	vld [tilespmem:s17+$0x10]  }
0x42: {  	v3 =	vld [tilespmem:s17+$0x0];
	_ =	sdelay $0x3  }
0x43: {  	v1 =	vmul.f32 $1.436156650e+01, v1;
	v0 =	vmul.f32 $1.436156650e+01, v0  }
0x44: {  	v3 =	vmul.f32 $1.436156650e+01, v3;
	v2 =	vmul.f32 $1.436156650e+01, v2  }
0x45: {  	v4 =	vmul.f32 v1, v1;
	v5 =	vmul.f32 v0, v0  }
0x46: {  	v6 =	vmul.f32 v3, v3;
	v7 =	vmul.f32 v2, v2  }
0x47: {  	v8 =	vmul.f32 $1.477404440e-04, v5;
	v9 =	vmul.f32 $1.906521540e-05, v5  }
0x48: {  	v10 =	vmul.f32 $1.477404440e-04, v4;
	v11 =	vmul.f32 $1.906521540e-05, v4  }
0x49: {  	v12 =	vmul.f32 $1.477404440e-04, v6;
	v13 =	vmul.f32 $1.477404440e-04, v7;
	v8 =	vsub.f32 $7.998575460e-03, v8  }
0x4a: {  	v14 =	vmul.f32 $1.906521540e-05, v7;
	v10 =	vsub.f32 $7.998575460e-03, v10;
	v9 =	vadd.f32 $-1.344106860e-03, v9  }
0x4b: {  	v15 =	vmul.f32 $1.906521540e-05, v6;
	v13 =	vsub.f32 $7.998575460e-03, v13;
	v11 =	vadd.f32 $-1.344106860e-03, v11  }
0x4c: {  	v12 =	vsub.f32 $7.998575460e-03, v12;
	v8 =	vmul.f32 v8, v5;
	v9 =	vmul.f32 v9, v5  }
0x4d: {  	v14 =	vadd.f32 $-1.344106860e-03, v14;
	v10 =	vmul.f32 v10, v4;
	v11 =	vmul.f32 v11, v4  }
0x4e: {  	v15 =	vadd.f32 $-1.344106860e-03, v15;
	v12 =	vmul.f32 v12, v6;
	v13 =	vmul.f32 v13, v7  }
0x4f: {  	v14 =	vmul.f32 v14, v7;
	v8 =	vadd.f32 $-1.658384350e-01, v8;
	v9 =	vadd.f32 $4.152230550e-02, v9  }
0x50: {  	v15 =	vmul.f32 v15, v6;
	v10 =	vadd.f32 $-1.658384350e-01, v10;
	v11 =	vadd.f32 $4.152230550e-02, v11  }
0x51: {  	v12 =	vadd.f32 $-1.658384350e-01, v12;
	v13 =	vadd.f32 $-1.658384350e-01, v13;
	v8 =	vmul.f32 v8, v5  }
0x52: {  	v15 =	vadd.f32 $4.152230550e-02, v15;
	v10 =	vmul.f32 v10, v4;
	v9 =	vmul.f32 v9, v5  }
0x53: {  	v14 =	vadd.f32 $4.152230550e-02, v14;
	v12 =	vmul.f32 v12, v6;
	v11 =	vmul.f32 v11, v4  }
0x54: {  	s30 =	simm.s32 $0x200;
	v15 =	vmul.f32 v15, v6;
	v8 =	vadd.f32 $9.994501470e-01, v8;
	v9 =	vadd.f32 $-4.998376070e-01, v9  }
0x55: {  	v16 =	vld [tilespmem:s30+$0x0];
	v14 =	vmul.f32 v14, v7;
	v10 =	vadd.f32 $9.994501470e-01, v10;
	v11 =	vadd.f32 $-4.998376070e-01, v11  }
0x56: {  	v17 =	vld [tilespmem:s30+$0x40];
	v13 =	vmul.f32 v13, v7;
	v12 =	vadd.f32 $9.994501470e-01, v12;
	v15 =	vadd.f32 $-4.998376070e-01, v15  }
0x57: {  	v18 =	vld [tilespmem:s30+$0x10];
	v14 =	vadd.f32 $-4.998376070e-01, v14;
	v0 =	vmul.f32 v8, v0;
	v5 =	vmul.f32 v9, v5  }
0x58: {  	v6 =	vmul.f32 v15, v6;
	v8 =	vld [tilespmem:s30+$0x50];
	v9 =	vadd.f32 $9.994501470e-01, v13;
	v1 =	vmul.f32 v10, v1  }
0x59: {  	v3 =	vmul.f32 v12, v3;
	v7 =	vmul.f32 v14, v7  }
0x5a: {  	s31 =	simm.s32 $0x4200;
	v10 =	vld [tilespmem:s30+$0x20];
	v4 =	vmul.f32 v11, v4;
	v6 =	vadd.f32 $9.999710910e-01, v6;
	v2 =	vmul.f32 v9, v2  }
0x5b: {  	v12 =	vld [tilespmem:s31+$0x0];
	v11 =	vmul.f32 v3, v17;
	v3 =	vmul.f32 v3, v16;
	v7 =	vadd.f32 $9.999710910e-01, v7  }
0x5c: {  	v9 =	vld [tilespmem:s31+$0x40];
	v13 =	vmul.f32 v6, v16;
	v6 =	vmul.f32 v6, v17  }
0x5d: {  	v14 =	vld [tilespmem:s30+$0x60];
	v4 =	vadd.f32 $9.999710910e-01, v4;
	v16 =	vmul.f32 v7, v18;
	v17 =	vmul.f32 v2, v8  }
0x5e: {  	v15 =	vld [tilespmem:s31+$0x10];
	v2 =	vmul.f32 v2, v18;
	v7 =	vmul.f32 v7, v8;
	v11 =	vsub.f32 v13, v11  }
0x5f: {  	v3 =	vadd.f32 v6, v3;
	v6 =	vld [tilespmem:s30+$0x30];
	v16 =	vsub.f32 v16, v17  }
0x60: {  	v13 =	vld [tilespmem:s31+$0x50];
	v2 =	vadd.f32 v7, v2;
	v8 =	vsub.f32 v11, v12  }
0x61: {  	v7 =	vld [tilespmem:s31+$0x20];
	v3 =	vsub.f32 v3, v9;
	v9 =	vmul.f32 v1, v10;
	v10 =	vmul.f32 v4, v10  }
0x62: {  	v5 =	vadd.f32 $9.999710910e-01, v5;
	v11 =	vld [tilespmem:s30+$0x70];
	v1 =	vmul.f32 v1, v14;
	v4 =	vmul.f32 v4, v14  }
0x63: {  	v12 =	vld [tilespmem:s17+$0xFFFFFFC0];
	v15 =	vsub.f32 v16, v15;
	v8 =	vand.u32 $0x7FFFFFFF, v8;
	v3 =	vand.u32 $0x7FFFFFFF, v3  }
0x64: {  	v1 =	vsub.f32 v10, v1;
	v3 =	vadd.f32 v3, v8;
	v8 =	vld [tilespmem:s31+$0x60]  }
0x65: {  	v14 =	vld [tilespmem:s17+$0xFFFFFFD0];
	v4 =	vadd.f32 v4, v9;
	v15 =	vand.u32 $0x7FFFFFFF, v15;
	v2 =	vsub.f32 v2, v13  }
0x66: {  	v10 =	vld [tilespmem:s31+$0x30];
	v13 =	vmul.f32 v5, v6;
	v1 =	vsub.f32 v1, v7;
	v3 =	vadd.f32 v15, v3  }
0x67: {  	v16 =	vld [tilespmem:s17+$0xFFFFFFE0];
	v15 =	vmul.f32 v0, v11;
	v2 =	vand.u32 $0x7FFFFFFF, v2;
	v0 =	vmul.f32 v0, v6  }
0x68: {  	v5 =	vmul.f32 v5, v11;
	v7 =	vmul.f32 $1.436156650e+01, v12;
	v2 =	vadd.f32 v3, v2;
	v3 =	vld [tilespmem:s31+$0x70]  }
0x69: {  	v1 =	vand.u32 $0x7FFFFFFF, v1;
	v6 =	vsub.f32 v13, v15;
	v4 =	vsub.f32 v4, v8  }
0x6a: {  	v0 =	vadd.f32 v5, v0;
	v8 =	vmul.f32 $1.436156650e+01, v14;
	v1 =	vadd.f32 v1, v2  }
0x6b: {  	v2 =	vand.u32 $0x7FFFFFFF, v4;
	v4 =	vsub.f32 v6, v10;
	v6 =	vmul.f32 v7, v7  }
0x6c: {  	v5 =	vld [tilespmem:s17+$0xFFFFFFF0];
	v9 =	vmul.f32 v8, v8;
	v10 =	vmul.f32 $1.436156650e+01, v16  }
0x6d: {  	v1 =	vadd.f32 v1, v2;
	v0 =	vsub.f32 v0, v3;
	v3 =	vmul.f32 $1.477404440e-04, v6  }
0x6e: {  	v2 =	vand.u32 $0x7FFFFFFF, v4;
	v4 =	vmul.f32 $1.906521540e-05, v6;
	v11 =	vmul.f32 $1.906521540e-05, v9  }
0x6f: {  	v12 =	vmul.f32 v10, v10;
	v1 =	vadd.f32 v2, v1;
	v2 =	vmul.f32 $1.477404440e-04, v9  }
0x70: {  	v0 =	vand.u32 $0x7FFFFFFF, v0;
	v4 =	vadd.f32 $-1.344106860e-03, v4;
	v3 =	vsub.f32 $7.998575460e-03, v3  }
0x71: {  	v11 =	vadd.f32 $-1.344106860e-03, v11;
	v1 =	vadd.f32 v1, v0;
	v0 =	vmul.f32 $1.436156650e+01, v5  }
0x72: {  	v2 =	vsub.f32 $7.998575460e-03, v2;
	v5 =	vmul.f32 $1.906521540e-05, v12;
	v4 =	vmul.f32 v4, v6  }
0x73: {  	(xrf2) =	vadd.scan.msk.f32 $0xffff, v1;
	v1 =	vmul.f32 v3, v6;
	v3 =	vmul.f32 v11, v9  }
0x74: {  	v2 =	vmul.f32 v2, v9;
	v5 =	vadd.f32 $-1.344106860e-03, v5;
	v11 =	vmul.f32 $1.477404440e-04, v12  }
0x75: {  	v18 =	vmul.f32 v0, v0;
	v4 =	vadd.f32 $4.152230550e-02, v4;
	v1 =	vadd.f32 $-1.658384350e-01, v1  }
0x76: {  	v3 =	vadd.f32 $4.152230550e-02, v3;
	v2 =	vadd.f32 $-1.658384350e-01, v2;
	v5 =	vmul.f32 v5, v12  }
0x77: {  	v11 =	vsub.f32 $7.998575460e-03, v11;
	v4 =	vmul.f32 v4, v6;
	v1 =	vmul.f32 v1, v6  }
0x78: {  	v15 =	vld [tilespmem:s30+$0xFFFFFFC0];
	v3 =	vmul.f32 v3, v9;
	v2 =	vmul.f32 v2, v9;
	v5 =	vadd.f32 $4.152230550e-02, v5  }
0x79: {  	v13 =	vmul.f32 $1.906521540e-05, v18;
	v4 =	vadd.f32 $-4.998376070e-01, v4;
	v1 =	vadd.f32 $9.994501470e-01, v1  }
0x7a: {  	v14 =	vld [tilespmem:s30+$0xFFFFFF80];
	v3 =	vadd.f32 $-4.998376070e-01, v3;
	v2 =	vadd.f32 $9.994501470e-01, v2;
	v5 =	vmul.f32 v5, v12  }
0x7b: {  	v4 =	vmul.f32 v4, v6;
	v6 =	vmul.f32 v11, v12;
	v11 =	vadd.f32 $-1.344106860e-03, v13  }
0x7c: {  	v1 =	vmul.f32 v1, v7;
	v7 =	vmul.f32 $1.477404440e-04, v18;
	v5 =	vadd.f32 $-4.998376070e-01, v5  }
0x7d: {  	v17 =	vld [tilespmem:s31+$0xFFFFFF80];
	v3 =	vmul.f32 v3, v9;
	v4 =	vadd.f32 $9.999710910e-01, v4;
	v6 =	vadd.f32 $-1.658384350e-01, v6  }
0x7e: {  	v13 =	vld [tilespmem:s30+$0xFFFFFF90];
	v11 =	vmul.f32 v11, v18;
	v9, _, _ =	vpop (xrf2);
	v7 =	vsub.f32 $7.998575460e-03, v7;
	v20 =	vmul.f32 v1, v15  }
0x7f: {  	v1 =	vmul.f32 v1, v14;
	v19 =	vsub.f32 $1.200000000e+01, v9;
	v9 =	vld [tilespmem:s30+$0xFFFFFFD0];
	v16 =	vmul.f32 v4, v14  }
0x80: {  	v21 =	vld [tilespmem:s31+$0xFFFFFFC0];
	v4 =	vmul.f32 v4, v15;
	v15 =	vadd.f32 $9.999710910e-01, v3;
	v14 =	vmul.f32 v2, v8  }
0x81: {  	v22 =	vld [tilespmem:s31+$0xFFFFFF90];
	v6 =	vmul.f32 v6, v12;
	v11 =	vadd.f32 $4.152230550e-02, v11;
	v12 =	vmul.f32 v5, v12  }
0x82: {  	v2 =	vld [tilespmem:s30+$0xFFFFFFA0];
	v7 =	vmul.f32 v7, v18;
	v16 =	vsub.f32 v16, v20;
	v1 =	vadd.f32 v4, v1  }
0x83: {  	v3 =	vld [tilespmem:s30+$0xFFFFFFE0];
	v4 =	vmul.f32 v15, v13;
	v6 =	vadd.f32 $9.994501470e-01, v6;
	v23 =	vmul.f32 v11, v18  }
0x84: {  	v8 =	vld [tilespmem:s31+$0xFFFFFFD0];
	v11 =	vadd.f32 $9.999710910e-01, v12;
	v16 =	vsub.f32 v16, v17;
	v20 =	vmul.f32 v14, v9  }
0x85: {  	v5 =	vld [tilespmem:s31+$0xFFFFFFA0];
	v13 =	vmul.f32 v14, v13;
	v17 =	vadd.f32 $-1.658384350e-01, v7;
	v21 =	vsub.f32 v1, v21  }
0x86: {  	v1 =	vld [tilespmem:s30+$0xFFFFFFB0];
	v10 =	vmul.f32 v6, v10;
	v15 =	vmul.f32 v15, v9;
	v4 =	vsub.f32 v4, v20  }
0x87: {  	v7 =	vld [tilespmem:s30+$0xFFFFFFF0];
	v23 =	vadd.f32 $-4.998376070e-01, v23;
	v14 =	vand.u32 $0x7FFFFFFF, v16;
	v21 =	vand.u32 $0x7FFFFFFF, v21  }
0x88: {  	v6 =	vld [tilespmem:s31+$0xFFFFFFB0];
	v20 =	vmul.f32 v17, v18;
	v12 =	vadd.f32 v15, v13;
	v15 =	vsub.f32 v4, v22  }
0x89: {  	s0 =	simm.s32 $0xA180;
	s17 =	simm.s32 $0x8240;
	v9 =	vld [tilespmem:s31+$0xFFFFFFE0];
	v16 =	vmul.f32 v11, v2;
	v17 =	vmul.f32 v10, v3;
	v14 =	vadd.f32 v21, v14  }
0x8a: {  	s2 =	simm.s32 $0x0;
	[tilespmem:s28+$0x1] =	vst.msk vm0, v19;
	v18 =	vmul.f32 v23, v18;
	v13 =	vadd.f32 $9.994501470e-01, v20;
	v4 =	vld [tilespmem:s31+$0xFFFFFFF0];
	v15 =	vand.u32 $0x7FFFFFFF, v15  }
.LBB2_2:
0x8b: {  	v19 =	vld [tilespmem:s17+$0x30];
	v8 =	vsub.f32 v12, v8;
	v12 =	vsub.f32 v16, v17;
	v3 =	vmul.f32 v11, v3  }
0x8c: {  	v2 =	vmul.f32 v10, v2;
	v0 =	vmul.f32 v13, v0;
	v11 =	vld [tilespmem:s17+$0x20];
	v10 =	vadd.f32 $9.999710910e-01, v18  }
0x8d: {  	v14 =	vadd.f32 v15, v14;
	v13 =	vld [tilespmem:s17+$0x10];
	v8 =	vand.u32 $0x7FFFFFFF, v8;
	v5 =	vsub.f32 v12, v5  }
0x8e: {  	v15 =	vadd.f32 v3, v2;
	v17 =	vmul.f32 v0, v7;
	v12 =	vld [tilespmem:s17+$0x0];
	v16 =	vmul.f32 v10, v1  }
0x8f: {  	v8 =	vadd.f32 v14, v8;
	v7 =	vmul.f32 v10, v7;
	v2 =	vld [tilespmem:s17+$0xFFFFFFC0];
	v5 =	vand.u32 $0x7FFFFFFF, v5  }
0x90: {  	v14 =	vmul.f32 v0, v1;
	v9 =	vsub.f32 v15, v9;
	v3 =	vld [tilespmem:s17+$0xFFFFFFD0];
	v10 =	vsub.f32 v16, v17  }
0x91: {  	v5 =	vadd.f32 v5, v8;
	v1 =	vld [tilespmem:s17+$0xFFFFFFE0]  }
0x92: {  	s2 =	sadd.s32 $0x2, s2;
	v8 =	vmul.f32 $1.436156650e+01, v11;
	v11 =	vmul.f32 $1.436156650e+01, v19;
	v9 =	vand.u32 $0x7FFFFFFF, v9;
	v0 =	vld [tilespmem:s17+$0xFFFFFFF0]  }
0x93: {  	p0 =	slt.u32 s2, $0x3E;
	v13 =	vmul.f32 $1.436156650e+01, v13;
	v6 =	vsub.f32 v10, v6;
	v12 =	vmul.f32 $1.436156650e+01, v12  }
0x94: {  	v7 =	vadd.f32 v7, v14;
	v10 =	vmul.f32 v8, v8;
	v15 =	vmul.f32 v11, v11  }
0x95: {  	v5 =	vadd.f32 v5, v9;
	v16 =	vmul.f32 v13, v13;
	v14 =	vmul.f32 v12, v12  }
0x96: {  	v6 =	vand.u32 $0x7FFFFFFF, v6;
	v9 =	vmul.f32 $1.477404440e-04, v15;
	v17 =	vmul.f32 $1.906521540e-05, v15  }
0x97: {  	v4 =	vsub.f32 v7, v4;
	v18 =	vmul.f32 $1.477404440e-04, v10;
	v19 =	vmul.f32 $1.906521540e-05, v10  }
0x98: {  	v20 =	vmul.f32 $1.477404440e-04, v16;
	v7 =	vmul.f32 $1.477404440e-04, v14;
	v9 =	vsub.f32 $7.998575460e-03, v9  }
0x99: {  	v21 =	vmul.f32 $1.906521540e-05, v16;
	v18 =	vsub.f32 $7.998575460e-03, v18;
	v17 =	vadd.f32 $-1.344106860e-03, v17  }
0x9a: {  	v22 =	vmul.f32 $1.906521540e-05, v14;
	v19 =	vadd.f32 $-1.344106860e-03, v19;
	v20 =	vsub.f32 $7.998575460e-03, v20  }
0x9b: {  	v7 =	vsub.f32 $7.998575460e-03, v7;
	v9 =	vmul.f32 v9, v15;
	v17 =	vmul.f32 v17, v15  }
0x9c: {  	v21 =	vadd.f32 $-1.344106860e-03, v21;
	v18 =	vmul.f32 v18, v10;
	v19 =	vmul.f32 v19, v10  }
0x9d: {  	v22 =	vadd.f32 $-1.344106860e-03, v22;
	v20 =	vmul.f32 v20, v16;
	v7 =	vmul.f32 v7, v14  }
0x9e: {  	v21 =	vmul.f32 v21, v16;
	v9 =	vadd.f32 $-1.658384350e-01, v9;
	v17 =	vadd.f32 $4.152230550e-02, v17  }
0x9f: {  	v22 =	vmul.f32 v22, v14;
	v18 =	vadd.f32 $-1.658384350e-01, v18;
	v19 =	vadd.f32 $4.152230550e-02, v19  }
0xa0: {  	v20 =	vadd.f32 $-1.658384350e-01, v20;
	v7 =	vadd.f32 $-1.658384350e-01, v7;
	v9 =	vmul.f32 v9, v15  }
0xa1: {  	v22 =	vadd.f32 $4.152230550e-02, v22;
	v18 =	vmul.f32 v18, v10;
	v17 =	vmul.f32 v17, v15  }
0xa2: {  	v21 =	vadd.f32 $4.152230550e-02, v21;
	v19 =	vmul.f32 v19, v10;
	v7 =	vmul.f32 v7, v14  }
0xa3: {  	s30 =	sadd.s32 $0x100, s30;
	v22 =	vmul.f32 v22, v14;
	v9 =	vadd.f32 $9.994501470e-01, v9;
	v17 =	vadd.f32 $-4.998376070e-01, v17  }
0xa4: {  	v21 =	vmul.f32 v21, v16;
	v18 =	vadd.f32 $9.994501470e-01, v18;
	v19 =	vadd.f32 $-4.998376070e-01, v19;
	v23 =	vld [tilespmem:s30+$0x0]  }
0xa5: {  	v20 =	vmul.f32 v20, v16;
	v7 =	vadd.f32 $9.994501470e-01, v7;
	v22 =	vadd.f32 $-4.998376070e-01, v22;
	v24 =	vld [tilespmem:s30+$0x40]  }
0xa6: {  	v21 =	vadd.f32 $-4.998376070e-01, v21;
	v9 =	vmul.f32 v9, v11;
	v15 =	vmul.f32 v17, v15;
	v25 =	vld [tilespmem:s30+$0x10]  }
0xa7: {  	v17 =	vadd.f32 $9.994501470e-01, v20;
	v8 =	vmul.f32 v18, v8;
	v11 =	vmul.f32 v22, v14;
	v14 =	vld [tilespmem:s30+$0x50]  }
0xa8: {  	s31 =	sadd.s32 $0x100, s31;
	v5 =	vadd.f32 v6, v5;
	v7 =	vmul.f32 v7, v12;
	v12 =	vmul.f32 v21, v16;
	v16 =	vld [tilespmem:s30+$0x20]  }
0xa9: {  	v10 =	vmul.f32 v19, v10;
	v13 =	vmul.f32 v17, v13;
	v11 =	vadd.f32 $9.999710910e-01, v11;
	v6 =	vld [tilespmem:s31+$0x0]  }
0xaa: {  	v12 =	vadd.f32 $9.999710910e-01, v12;
	v17 =	vld [tilespmem:s31+$0x40];
	v18 =	vmul.f32 v7, v24;
	v7 =	vmul.f32 v7, v23  }
0xab: {  	v4 =	vand.u32 $0x7FFFFFFF, v4;
	v19 =	vmul.f32 v11, v23;
	v11 =	vmul.f32 v11, v24;
	v20 =	vld [tilespmem:s30+$0x60]  }
0xac: {  	v4 =	vadd.f32 v5, v4;
	v22 =	vmul.f32 v12, v25;
	v21 =	vld [tilespmem:s31+$0x10];
	v23 =	vmul.f32 v13, v14  }
0xad: {  	v5 =	vsub.f32 v19, v18;
	v7 =	vadd.f32 v11, v7;
	v11 =	vmul.f32 v13, v25;
	v18 =	vld [tilespmem:s30+$0x30]  }
0xae: {  	v10 =	vadd.f32 $9.999710910e-01, v10;
	v12 =	vmul.f32 v12, v14;
	v19 =	vld [tilespmem:s31+$0x50];
	v13 =	vsub.f32 v22, v23;
	(xrf2) =	vadd.scan.msk.f32 $0xffff, v4  }
0xaf: {  	v4 =	vsub.f32 v5, v6;
	v6 =	vmul.f32 v8, v16;
	v5 =	vsub.f32 v7, v17;
	v7 =	vld [tilespmem:s30+$0x70]  }
0xb0: {  	v12 =	vadd.f32 v12, v11;
	v16 =	vmul.f32 v10, v16;
	v14 =	vld [tilespmem:s31+$0x20];
	v8 =	vmul.f32 v8, v20  }
0xb1: {  	v4 =	vand.u32 $0x7FFFFFFF, v4;
	v11 =	vld [tilespmem:s30+$0xFFFFFFC0];
	v5 =	vand.u32 $0x7FFFFFFF, v5;
	v17 =	vsub.f32 v13, v21  }
0xb2: {  	v15 =	vadd.f32 $9.999710910e-01, v15;
	v20 =	vmul.f32 v10, v20;
	v4 =	vadd.f32 v5, v4;
	v5 =	vld [tilespmem:s31+$0x60]  }
0xb3: {  	v8 =	vsub.f32 v16, v8;
	v13 =	vld [tilespmem:s30+$0xFFFFFF80];
	v10 =	vand.u32 $0x7FFFFFFF, v17;
	v12 =	vsub.f32 v12, v19  }
0xb4: {  	v17 =	vmul.f32 v15, v18;
	v4 =	vadd.f32 v10, v4;
	v16 =	vld [tilespmem:s31+$0x30];
	v19 =	vmul.f32 v9, v7  }
0xb5: {  	v6 =	vadd.f32 v20, v6;
	v10 =	vld [tilespmem:s30+$0xFFFFFF90];
	v12 =	vand.u32 $0x7FFFFFFF, v12;
	v8 =	vsub.f32 v8, v14  }
0xb6: {  	v9 =	vmul.f32 v9, v18;
	v7 =	vmul.f32 v15, v7;
	v20 =	vadd.f32 v4, v12;
	v14 =	vld [tilespmem:s31+$0x70]  }
0xb7: {  	v12 =	vld [tilespmem:s30+$0xFFFFFFD0];
	v8 =	vand.u32 $0x7FFFFFFF, v8;
	v5 =	vsub.f32 v6, v5;
	v6 =	vsub.f32 v17, v19  }
0xb8: {  	v18 =	vmul.f32 $1.436156650e+01, v3;
	v17 =	vmul.f32 $1.436156650e+01, v2;
	v15 =	vld [tilespmem:s31+$0xFFFFFF80];
	v2 =	vadd.f32 v8, v20;
	v4, _, _ =	vpop (xrf2)  }
0xb9: {  	v19 =	vld [tilespmem:s31+$0xFFFFFFC0];
	v3 =	vand.u32 $0x7FFFFFFF, v5;
	v5 =	vadd.f32 v7, v9;
	v6 =	vsub.f32 v6, v16  }
0xba: {  	v21 =	vmul.f32 v18, v18;
	v16 =	vmul.f32 v17, v17;
	v20 =	vld [tilespmem:s31+$0xFFFFFF90];
	v7 =	vadd.f32 v2, v3  }
0xbb: {  	v22 =	vmul.f32 $1.436156650e+01, v1;
	v2 =	vld [tilespmem:s30+$0xFFFFFFA0];
	v1 =	vand.u32 $0x7FFFFFFF, v6;
	v5 =	vsub.f32 v5, v14  }
0xbc: {  	v6 =	vmul.f32 $1.477404440e-04, v16;
	v8 =	vmul.f32 $1.906521540e-05, v16;
	v3 =	vld [tilespmem:s30+$0xFFFFFFE0];
	v1 =	vadd.f32 v1, v7  }
0xbd: {  	v9 =	vmul.f32 $1.906521540e-05, v21;
	v7 =	vmul.f32 $1.477404440e-04, v21;
	v5 =	vand.u32 $0x7FFFFFFF, v5  }
0xbe: {  	v23 =	vmul.f32 v22, v22;
	v14 =	vadd.f32 $-1.344106860e-03, v8;
	v8 =	vld [tilespmem:s31+$0xFFFFFFD0];
	v1 =	vadd.f32 v1, v5  }
0xbf: {  	v0 =	vmul.f32 $1.436156650e+01, v0;
	v9 =	vadd.f32 $-1.344106860e-03, v9;
	v6 =	vsub.f32 $7.998575460e-03, v6  }
0xc0: {  	v24 =	vmul.f32 $1.906521540e-05, v23;
	v7 =	vsub.f32 $7.998575460e-03, v7;
	v14 =	vmul.f32 v14, v16;
	v5 =	vld [tilespmem:s31+$0xFFFFFFA0];
	(xrf2) =	vadd.scan.msk.f32 $0xffff, v1  }
0xc1: {  	v4 =	vsub.f32 $1.200000000e+01, v4;
	v9 =	vmul.f32 v9, v21;
	v6 =	vmul.f32 v6, v16;
	v1 =	vld [tilespmem:s30+$0xFFFFFFB0]  }
0xc2: {  	v24 =	vadd.f32 $-1.344106860e-03, v24;
	v25 =	vmul.f32 v7, v21;
	v14 =	vadd.f32 $4.152230550e-02, v14;
	v7 =	vld [tilespmem:s30+$0xFFFFFFF0]  }
0xc3: {  	v27 =	vmul.f32 $1.477404440e-04, v23;
	v26 =	vadd.f32 $4.152230550e-02, v9;
	v6 =	vadd.f32 $-1.658384350e-01, v6;
	[tilespmem:s0+$0x0] =	vst.msk vm0, v4  }
0xc4: {  	v4 =	vmul.f32 v14, v16;
	v14 =	vadd.f32 $-1.658384350e-01, v25;
	v25 =	vmul.f32 v0, v0;
	v9 =	vld [tilespmem:s31+$0xFFFFFFE0]  }
0xc5: {  	v27 =	vsub.f32 $7.998575460e-03, v27;
	v26 =	vmul.f32 v26, v21;
	v28 =	vmul.f32 v6, v16;
	v6 =	vld [tilespmem:s31+$0xFFFFFFB0]  }
0xc6: {  	v24 =	vmul.f32 v24, v23;
	v29 =	vadd.f32 $-4.998376070e-01, v4;
	v30 =	vmul.f32 $1.906521540e-05, v25;
	v4 =	vld [tilespmem:s31+$0xFFFFFFF0]  }
0xc7: {  	v31 =	vadd.f32 $-4.998376070e-01, v26;
	v28 =	vadd.f32 $9.994501470e-01, v28;
	v14 =	vmul.f32 v14, v21  }
0xc8: {  	v27 =	vmul.f32 v27, v23;
	v24 =	vadd.f32 $4.152230550e-02, v24;
	v16 =	vmul.f32 v29, v16  }
0xc9: {  	v17 =	vmul.f32 v28, v17;
	v28 =	vmul.f32 $1.477404440e-04, v25;
	v29 =	vadd.f32 $-1.344106860e-03, v30  }
0xca: {  	v21 =	vmul.f32 v31, v21;
	v14 =	vadd.f32 $9.994501470e-01, v14;
	v16 =	vadd.f32 $9.999710910e-01, v16;
	v26, _, _ =	vpop (xrf2)  }
0xcb: {  	v27 =	vadd.f32 $-1.658384350e-01, v27;
	v24 =	vmul.f32 v24, v23;
	v26 =	vsub.f32 $1.200000000e+01, v26  }
0xcc: {  	s0 =	sadd.s32 $0x2, s0;
	v28 =	vsub.f32 $7.998575460e-03, v28;
	v29 =	vmul.f32 v29, v25;
	v30 =	vmul.f32 v16, v13  }
0xcd: {  	v31 =	vmul.f32 v17, v11;
	v11 =	vmul.f32 v16, v11;
	v16 =	vadd.f32 $9.999710910e-01, v21;
	[tilespmem:s0+$0x1] =	vst.msk vm0, v26  }
0xce: {  	v14 =	vmul.f32 v14, v18;
	v13 =	vmul.f32 v17, v13;
	v17 =	vadd.f32 $-4.998376070e-01, v24  }
0xcf: {  	v18 =	vmul.f32 v27, v23;
	v21 =	vmul.f32 v28, v25;
	v24 =	vadd.f32 $4.152230550e-02, v29  }
0xd0: {  	v26 =	vsub.f32 v30, v31;
	v11 =	vadd.f32 v11, v13;
	v13 =	vmul.f32 v16, v10  }
0xd1: {  	v27 =	vmul.f32 v14, v12;
	v18 =	vadd.f32 $9.994501470e-01, v18;
	v17 =	vmul.f32 v17, v23  }
0xd2: {  	v21 =	vadd.f32 $-1.658384350e-01, v21;
	v23 =	vmul.f32 v24, v25;
	v15 =	vsub.f32 v26, v15  }
0xd3: {  	v12 =	vmul.f32 v16, v12;
	v19 =	vsub.f32 v11, v19;
	v13 =	vsub.f32 v13, v27  }
.Ltmp0:
0xd4: {  	v14 =	vmul.f32 v14, v10;
	v10 =	vmul.f32 v18, v22;
	v11 =	vadd.f32 $9.999710910e-01, v17;
	(pc) =	sbr.rel @p0 .LBB2_2-.Ltmp0, $4  }
0xd5: {  	v18 =	vmul.f32 v21, v25;
	v21 =	vadd.f32 $-4.998376070e-01, v23;
	v15 =	vand.u32 $0x7FFFFFFF, v15  }
0xd6: {  	v12 =	vadd.f32 v12, v14;
	v19 =	vand.u32 $0x7FFFFFFF, v19;
	v20 =	vsub.f32 v13, v20  }
0xd7: {  	v17 =	vmul.f32 v10, v3;
	v16 =	vmul.f32 v11, v2;
	v13 =	vadd.f32 $9.994501470e-01, v18  }
0xd8: {  	s17 =	sadd.s32 $0x80, s17;
	v18 =	vmul.f32 v21, v25;
	v14 =	vadd.f32 v19, v15;
	v15 =	vand.u32 $0x7FFFFFFF, v20  }
0xd9: {  	v8 =	vsub.f32 v12, v8;
	v12 =	vsub.f32 v16, v17;
	v3 =	vmul.f32 v11, v3  }
0xda: {  	v2 =	vmul.f32 v10, v2;
	v0 =	vmul.f32 v13, v0;
	v10 =	vadd.f32 $9.999710910e-01, v18  }
0xdb: {  	v11 =	vadd.f32 v15, v14;
	v8 =	vand.u32 $0x7FFFFFFF, v8;
	v5 =	vsub.f32 v12, v5  }
0xdc: {  	v2 =	vadd.f32 v3, v2;
	v12 =	vmul.f32 v0, v7;
	v3 =	vmul.f32 v10, v1  }
0xdd: {  	v0 =	vmul.f32 v0, v1;
	v8 =	vadd.f32 v11, v8;
	v7 =	vmul.f32 v10, v7  }
0xde: {  	v5 =	vand.u32 $0x7FFFFFFF, v5;
	v2 =	vsub.f32 v2, v9;
	v3 =	vsub.f32 v3, v12  }
0xdf: {  	v1 =	vadd.f32 v5, v8  }
0xe0: {  	v0 =	vadd.f32 v7, v0;
	v2 =	vand.u32 $0x7FFFFFFF, v2;
	v3 =	vsub.f32 v3, v6  }
0xe1: {  	v1 =	vadd.f32 v1, v2  }
0xe2: {  	v0 =	vsub.f32 v0, v4;
	v2 =	vand.u32 $0x7FFFFFFF, v3  }
0xe3: {  	v1 =	vadd.f32 v2, v1  }
0xe4: {  	v0 =	vand.u32 $0x7FFFFFFF, v0  }
0xe5: {  	v0 =	vadd.f32 v1, v0;
	_ =	sdelay $0x1  }
0xe6: {  	(xrf2) =	vadd.scan.msk.f32 $0xffff, v0;
	_ =	sdelay $0x9  }
0xe7: {  	v0, _, _ =	vpop (xrf2)  }
0xe8: {  	v0 =	vsub.f32 $1.200000000e+01, v0;
	_ =	sdelay $0x1  }
0xe9: {  	[tilespmem:s0+$0x0] =	vst.msk vm0, v0  }
0xea: {  	_ =	swait.ge [sflag:s26], $0x2000  }
0xeb: {  	[sflag:s26] =	ssyncset.done $0x0  }
0xec: {  	[sflag:s26] =	ssyncadd.s32 $0xFFFFE000  }
0xed: {  	_ =	swait.ge [sflag:s26], $0x2000  }
0xee: {  	[sflag:s26] =	ssyncset.done $0x0  }
0xef: {  	[sflag:s26] =	ssyncadd.s32 $0xFFFFE000  }
0xf0: {  	_ =	swait.ge [sflag:s26], $0x1000  }
0xf1: {  	[sflag:s26] =	ssyncset.done $0x0  }
0xf2: {  	s17 =	simm.s32 $0x91F0;
	[sflag:s26] =	ssyncadd.s32 $0xFFFFF000  }
0xf3: {  	v0 =	vld [tilespmem:s17+$0x0]  }
0xf4: {  	v1 =	vld [tilespmem:s17+$0xFFFFFFF0]  }
0xf5: {  	v2 =	vld [tilespmem:s17+$0xFFFFFFE0]  }
0xf6: {  	v3 =	vld [tilespmem:s17+$0xFFFFFFD0];
	_ =	sdelay $0x3  }
0xf7: {  	v1 =	vmul.f32 $1.436156650e+01, v1;
	v0 =	vmul.f32 $1.436156650e+01, v0  }
0xf8: {  	v3 =	vmul.f32 $1.436156650e+01, v3;
	v2 =	vmul.f32 $1.436156650e+01, v2  }
0xf9: {  	v4 =	vmul.f32 v1, v1;
	v5 =	vmul.f32 v0, v0  }
0xfa: {  	v6 =	vmul.f32 v3, v3;
	v7 =	vmul.f32 v2, v2  }
0xfb: {  	v8 =	vmul.f32 $1.477404440e-04, v5;
	v9 =	vmul.f32 $1.906521540e-05, v5  }
0xfc: {  	v10 =	vmul.f32 $1.477404440e-04, v4;
	v11 =	vmul.f32 $1.906521540e-05, v4  }
0xfd: {  	v12 =	vmul.f32 $1.477404440e-04, v6;
	v13 =	vmul.f32 $1.477404440e-04, v7;
	v8 =	vsub.f32 $7.998575460e-03, v8  }
0xfe: {  	v14 =	vmul.f32 $1.906521540e-05, v7;
	v10 =	vsub.f32 $7.998575460e-03, v10;
	v9 =	vadd.f32 $-1.344106860e-03, v9  }
0xff: {  	v15 =	vmul.f32 $1.906521540e-05, v6;
	v13 =	vsub.f32 $7.998575460e-03, v13;
	v11 =	vadd.f32 $-1.344106860e-03, v11  }
0x100: {  	v12 =	vsub.f32 $7.998575460e-03, v12;
	v8 =	vmul.f32 v8, v5;
	v9 =	vmul.f32 v9, v5  }
0x101: {  	v14 =	vadd.f32 $-1.344106860e-03, v14;
	v10 =	vmul.f32 v10, v4;
	v11 =	vmul.f32 v11, v4  }
0x102: {  	v15 =	vadd.f32 $-1.344106860e-03, v15;
	v12 =	vmul.f32 v12, v6;
	v13 =	vmul.f32 v13, v7  }
0x103: {  	v14 =	vmul.f32 v14, v7;
	v8 =	vadd.f32 $-1.658384350e-01, v8;
	v9 =	vadd.f32 $4.152230550e-02, v9  }
0x104: {  	v15 =	vmul.f32 v15, v6;
	v10 =	vadd.f32 $-1.658384350e-01, v10;
	v11 =	vadd.f32 $4.152230550e-02, v11  }
0x105: {  	v12 =	vadd.f32 $-1.658384350e-01, v12;
	v13 =	vadd.f32 $-1.658384350e-01, v13;
	v8 =	vmul.f32 v8, v5  }
0x106: {  	v15 =	vadd.f32 $4.152230550e-02, v15;
	v10 =	vmul.f32 v10, v4;
	v9 =	vmul.f32 v9, v5  }
0x107: {  	v14 =	vadd.f32 $4.152230550e-02, v14;
	v12 =	vmul.f32 v12, v6;
	v11 =	vmul.f32 v11, v4  }
0x108: {  	s30 =	simm.s32 $0x2270;
	v15 =	vmul.f32 v15, v6;
	v8 =	vadd.f32 $9.994501470e-01, v8;
	v9 =	vadd.f32 $-4.998376070e-01, v9  }
0x109: {  	v16 =	vld [tilespmem:s30+$0xFFFFFF90];
	v14 =	vmul.f32 v14, v7;
	v10 =	vadd.f32 $9.994501470e-01, v10;
	v11 =	vadd.f32 $-4.998376070e-01, v11  }
0x10a: {  	v17 =	vld [tilespmem:s30+$0xFFFFFFD0];
	v13 =	vmul.f32 v13, v7;
	v12 =	vadd.f32 $9.994501470e-01, v12;
	v15 =	vadd.f32 $-4.998376070e-01, v15  }
0x10b: {  	v18 =	vld [tilespmem:s30+$0xFFFFFFA0];
	v14 =	vadd.f32 $-4.998376070e-01, v14;
	v0 =	vmul.f32 v8, v0;
	v5 =	vmul.f32 v9, v5  }
0x10c: {  	v6 =	vmul.f32 v15, v6;
	v8 =	vld [tilespmem:s30+$0xFFFFFFE0];
	v9 =	vadd.f32 $9.994501470e-01, v13;
	v1 =	vmul.f32 v10, v1  }
0x10d: {  	v3 =	vmul.f32 v12, v3;
	v7 =	vmul.f32 v14, v7  }
0x10e: {  	s31 =	simm.s32 $0x6270;
	v10 =	vld [tilespmem:s30+$0xFFFFFFB0];
	v4 =	vmul.f32 v11, v4;
	v6 =	vadd.f32 $9.999710910e-01, v6;
	v2 =	vmul.f32 v9, v2  }
0x10f: {  	v12 =	vld [tilespmem:s31+$0xFFFFFF90];
	v11 =	vmul.f32 v3, v17;
	v3 =	vmul.f32 v3, v16;
	v7 =	vadd.f32 $9.999710910e-01, v7  }
0x110: {  	v9 =	vld [tilespmem:s31+$0xFFFFFFD0];
	v13 =	vmul.f32 v6, v16;
	v6 =	vmul.f32 v6, v17  }
0x111: {  	v14 =	vld [tilespmem:s30+$0xFFFFFFF0];
	v4 =	vadd.f32 $9.999710910e-01, v4;
	v16 =	vmul.f32 v7, v18;
	v17 =	vmul.f32 v2, v8  }
0x112: {  	v15 =	vld [tilespmem:s31+$0xFFFFFFA0];
	v2 =	vmul.f32 v2, v18;
	v7 =	vmul.f32 v7, v8;
	v11 =	vsub.f32 v13, v11  }
0x113: {  	v3 =	vadd.f32 v6, v3;
	v6 =	vld [tilespmem:s30+$0xFFFFFFC0];
	v16 =	vsub.f32 v16, v17  }
0x114: {  	v13 =	vld [tilespmem:s31+$0xFFFFFFE0];
	v2 =	vadd.f32 v7, v2;
	v8 =	vsub.f32 v11, v12  }
0x115: {  	v7 =	vld [tilespmem:s31+$0xFFFFFFB0];
	v3 =	vsub.f32 v3, v9;
	v9 =	vmul.f32 v1, v10;
	v10 =	vmul.f32 v4, v10  }
0x116: {  	v5 =	vadd.f32 $9.999710910e-01, v5;
	v11 =	vld [tilespmem:s30+$0x0];
	v1 =	vmul.f32 v1, v14;
	v4 =	vmul.f32 v4, v14  }
0x117: {  	v12 =	vld [tilespmem:s17+$0xFFFFFF90];
	v15 =	vsub.f32 v16, v15;
	v8 =	vand.u32 $0x7FFFFFFF, v8;
	v3 =	vand.u32 $0x7FFFFFFF, v3  }
0x118: {  	v1 =	vsub.f32 v10, v1;
	v3 =	vadd.f32 v3, v8;
	v8 =	vld [tilespmem:s31+$0xFFFFFFF0]  }
0x119: {  	v14 =	vld [tilespmem:s17+$0xFFFFFFA0];
	v4 =	vadd.f32 v4, v9;
	v15 =	vand.u32 $0x7FFFFFFF, v15;
	v2 =	vsub.f32 v2, v13  }
0x11a: {  	v10 =	vld [tilespmem:s31+$0xFFFFFFC0];
	v13 =	vmul.f32 v5, v6;
	v1 =	vsub.f32 v1, v7;
	v3 =	vadd.f32 v15, v3  }
0x11b: {  	v16 =	vld [tilespmem:s17+$0xFFFFFFB0];
	v15 =	vmul.f32 v0, v11;
	v2 =	vand.u32 $0x7FFFFFFF, v2;
	v0 =	vmul.f32 v0, v6  }
0x11c: {  	v5 =	vmul.f32 v5, v11;
	v7 =	vmul.f32 $1.436156650e+01, v12;
	v2 =	vadd.f32 v3, v2;
	v3 =	vld [tilespmem:s31+$0x0]  }
0x11d: {  	v1 =	vand.u32 $0x7FFFFFFF, v1;
	v6 =	vsub.f32 v13, v15;
	v4 =	vsub.f32 v4, v8  }
0x11e: {  	v0 =	vadd.f32 v5, v0;
	v8 =	vmul.f32 $1.436156650e+01, v14;
	v1 =	vadd.f32 v1, v2  }
0x11f: {  	v2 =	vand.u32 $0x7FFFFFFF, v4;
	v4 =	vsub.f32 v6, v10;
	v6 =	vmul.f32 v7, v7  }
0x120: {  	v5 =	vld [tilespmem:s17+$0xFFFFFFC0];
	v9 =	vmul.f32 v8, v8;
	v10 =	vmul.f32 $1.436156650e+01, v16  }
0x121: {  	v1 =	vadd.f32 v1, v2;
	v0 =	vsub.f32 v0, v3;
	v3 =	vmul.f32 $1.477404440e-04, v6  }
0x122: {  	v2 =	vand.u32 $0x7FFFFFFF, v4;
	v4 =	vmul.f32 $1.906521540e-05, v6;
	v11 =	vmul.f32 $1.906521540e-05, v9  }
0x123: {  	v12 =	vmul.f32 v10, v10;
	v1 =	vadd.f32 v2, v1;
	v2 =	vmul.f32 $1.477404440e-04, v9  }
0x124: {  	v0 =	vand.u32 $0x7FFFFFFF, v0;
	v4 =	vadd.f32 $-1.344106860e-03, v4;
	v3 =	vsub.f32 $7.998575460e-03, v3  }
0x125: {  	v11 =	vadd.f32 $-1.344106860e-03, v11;
	v1 =	vadd.f32 v1, v0;
	v0 =	vmul.f32 $1.436156650e+01, v5  }
0x126: {  	v2 =	vsub.f32 $7.998575460e-03, v2;
	v5 =	vmul.f32 $1.906521540e-05, v12;
	v4 =	vmul.f32 v4, v6  }
0x127: {  	(xrf2) =	vadd.scan.msk.f32 $0xffff, v1;
	v1 =	vmul.f32 v3, v6;
	v3 =	vmul.f32 v11, v9  }
0x128: {  	v2 =	vmul.f32 v2, v9;
	v5 =	vadd.f32 $-1.344106860e-03, v5;
	v11 =	vmul.f32 $1.477404440e-04, v12  }
0x129: {  	v18 =	vmul.f32 v0, v0;
	v4 =	vadd.f32 $4.152230550e-02, v4;
	v1 =	vadd.f32 $-1.658384350e-01, v1  }
0x12a: {  	v3 =	vadd.f32 $4.152230550e-02, v3;
	v2 =	vadd.f32 $-1.658384350e-01, v2;
	v5 =	vmul.f32 v5, v12  }
0x12b: {  	v11 =	vsub.f32 $7.998575460e-03, v11;
	v4 =	vmul.f32 v4, v6;
	v1 =	vmul.f32 v1, v6  }
0x12c: {  	v15 =	vld [tilespmem:s30+$0xFFFFFF50];
	v3 =	vmul.f32 v3, v9;
	v2 =	vmul.f32 v2, v9;
	v5 =	vadd.f32 $4.152230550e-02, v5  }
0x12d: {  	v13 =	vmul.f32 $1.906521540e-05, v18;
	v4 =	vadd.f32 $-4.998376070e-01, v4;
	v1 =	vadd.f32 $9.994501470e-01, v1  }
0x12e: {  	v14 =	vld [tilespmem:s30+$0xFFFFFF10];
	v3 =	vadd.f32 $-4.998376070e-01, v3;
	v2 =	vadd.f32 $9.994501470e-01, v2;
	v5 =	vmul.f32 v5, v12  }
0x12f: {  	v4 =	vmul.f32 v4, v6;
	v6 =	vmul.f32 v11, v12;
	v11 =	vadd.f32 $-1.344106860e-03, v13  }
0x130: {  	v1 =	vmul.f32 v1, v7;
	v7 =	vmul.f32 $1.477404440e-04, v18;
	v5 =	vadd.f32 $-4.998376070e-01, v5  }
0x131: {  	v17 =	vld [tilespmem:s31+$0xFFFFFF10];
	v3 =	vmul.f32 v3, v9;
	v4 =	vadd.f32 $9.999710910e-01, v4;
	v6 =	vadd.f32 $-1.658384350e-01, v6  }
0x132: {  	v13 =	vld [tilespmem:s30+$0xFFFFFF20];
	v11 =	vmul.f32 v11, v18;
	v9, _, _ =	vpop (xrf2);
	v7 =	vsub.f32 $7.998575460e-03, v7;
	v20 =	vmul.f32 v1, v15  }
0x133: {  	v1 =	vmul.f32 v1, v14;
	v19 =	vsub.f32 $1.200000000e+01, v9;
	v9 =	vld [tilespmem:s30+$0xFFFFFF60];
	v16 =	vmul.f32 v4, v14  }
0x134: {  	v21 =	vld [tilespmem:s31+$0xFFFFFF50];
	v4 =	vmul.f32 v4, v15;
	v15 =	vadd.f32 $9.999710910e-01, v3;
	v14 =	vmul.f32 v2, v8  }
0x135: {  	v22 =	vld [tilespmem:s31+$0xFFFFFF20];
	v6 =	vmul.f32 v6, v12;
	v11 =	vadd.f32 $4.152230550e-02, v11;
	v12 =	vmul.f32 v5, v12  }
0x136: {  	v2 =	vld [tilespmem:s30+$0xFFFFFF30];
	v7 =	vmul.f32 v7, v18;
	v16 =	vsub.f32 v16, v20;
	v1 =	vadd.f32 v4, v1  }
0x137: {  	v3 =	vld [tilespmem:s30+$0xFFFFFF70];
	v4 =	vmul.f32 v15, v13;
	v6 =	vadd.f32 $9.994501470e-01, v6;
	v23 =	vmul.f32 v11, v18  }
0x138: {  	v8 =	vld [tilespmem:s31+$0xFFFFFF60];
	v11 =	vadd.f32 $9.999710910e-01, v12;
	v16 =	vsub.f32 v16, v17;
	v20 =	vmul.f32 v14, v9  }
0x139: {  	v5 =	vld [tilespmem:s31+$0xFFFFFF30];
	v13 =	vmul.f32 v14, v13;
	v17 =	vadd.f32 $-1.658384350e-01, v7;
	v21 =	vsub.f32 v1, v21  }
0x13a: {  	v1 =	vld [tilespmem:s30+$0xFFFFFF40];
	v10 =	vmul.f32 v6, v10;
	v15 =	vmul.f32 v15, v9;
	v4 =	vsub.f32 v4, v20  }
0x13b: {  	v7 =	vld [tilespmem:s30+$0xFFFFFF80];
	v23 =	vadd.f32 $-4.998376070e-01, v23;
	v14 =	vand.u32 $0x7FFFFFFF, v16;
	v21 =	vand.u32 $0x7FFFFFFF, v21  }
0x13c: {  	v6 =	vld [tilespmem:s31+$0xFFFFFF40];
	v20 =	vmul.f32 v17, v18;
	v12 =	vadd.f32 v15, v13;
	v15 =	vsub.f32 v4, v22  }
0x13d: {  	s0 =	simm.s32 $0xA1C0;
	s17 =	simm.s32 $0x9270;
	v9 =	vld [tilespmem:s31+$0xFFFFFF70];
	v16 =	vmul.f32 v11, v2;
	v17 =	vmul.f32 v10, v3;
	v14 =	vadd.f32 v21, v14  }
0x13e: {  	s2 =	simm.s32 $0x40;
	[tilespmem:s0+$0x1] =	vst.msk vm0, v19;
	v18 =	vmul.f32 v23, v18;
	v13 =	vadd.f32 $9.994501470e-01, v20;
	v4 =	vld [tilespmem:s31+$0xFFFFFF80];
	v15 =	vand.u32 $0x7FFFFFFF, v15  }
.LBB2_4:
0x13f: {  	v19 =	vld [tilespmem:s17+$0x0];
	v8 =	vsub.f32 v12, v8;
	v12 =	vsub.f32 v16, v17;
	v3 =	vmul.f32 v11, v3  }
0x140: {  	v2 =	vmul.f32 v10, v2;
	v0 =	vmul.f32 v13, v0;
	v11 =	vld [tilespmem:s17+$0xFFFFFFF0];
	v10 =	vadd.f32 $9.999710910e-01, v18  }
0x141: {  	v14 =	vadd.f32 v15, v14;
	v13 =	vld [tilespmem:s17+$0xFFFFFFE0];
	v8 =	vand.u32 $0x7FFFFFFF, v8;
	v5 =	vsub.f32 v12, v5  }
0x142: {  	v15 =	vadd.f32 v3, v2;
	v17 =	vmul.f32 v0, v7;
	v12 =	vld [tilespmem:s17+$0xFFFFFFD0];
	v16 =	vmul.f32 v10, v1  }
0x143: {  	v8 =	vadd.f32 v14, v8;
	v7 =	vmul.f32 v10, v7;
	v2 =	vld [tilespmem:s17+$0xFFFFFF90];
	v5 =	vand.u32 $0x7FFFFFFF, v5  }
0x144: {  	v14 =	vmul.f32 v0, v1;
	v9 =	vsub.f32 v15, v9;
	v3 =	vld [tilespmem:s17+$0xFFFFFFA0];
	v10 =	vsub.f32 v16, v17  }
0x145: {  	v5 =	vadd.f32 v5, v8;
	v1 =	vld [tilespmem:s17+$0xFFFFFFB0]  }
0x146: {  	s2 =	sadd.s32 $0x2, s2;
	v8 =	vmul.f32 $1.436156650e+01, v11;
	v11 =	vmul.f32 $1.436156650e+01, v19;
	v9 =	vand.u32 $0x7FFFFFFF, v9;
	v0 =	vld [tilespmem:s17+$0xFFFFFFC0]  }
0x147: {  	p0 =	slt.u32 s2, $0x7E;
	v13 =	vmul.f32 $1.436156650e+01, v13;
	v6 =	vsub.f32 v10, v6;
	v12 =	vmul.f32 $1.436156650e+01, v12  }
0x148: {  	v7 =	vadd.f32 v7, v14;
	v10 =	vmul.f32 v8, v8;
	v15 =	vmul.f32 v11, v11  }
0x149: {  	v5 =	vadd.f32 v5, v9;
	v16 =	vmul.f32 v13, v13;
	v14 =	vmul.f32 v12, v12  }
0x14a: {  	v6 =	vand.u32 $0x7FFFFFFF, v6;
	v9 =	vmul.f32 $1.477404440e-04, v15;
	v17 =	vmul.f32 $1.906521540e-05, v15  }
0x14b: {  	v4 =	vsub.f32 v7, v4;
	v18 =	vmul.f32 $1.477404440e-04, v10;
	v19 =	vmul.f32 $1.906521540e-05, v10  }
0x14c: {  	v20 =	vmul.f32 $1.477404440e-04, v16;
	v7 =	vmul.f32 $1.477404440e-04, v14;
	v9 =	vsub.f32 $7.998575460e-03, v9  }
0x14d: {  	v21 =	vmul.f32 $1.906521540e-05, v16;
	v18 =	vsub.f32 $7.998575460e-03, v18;
	v17 =	vadd.f32 $-1.344106860e-03, v17  }
0x14e: {  	v22 =	vmul.f32 $1.906521540e-05, v14;
	v19 =	vadd.f32 $-1.344106860e-03, v19;
	v20 =	vsub.f32 $7.998575460e-03, v20  }
0x14f: {  	v7 =	vsub.f32 $7.998575460e-03, v7;
	v9 =	vmul.f32 v9, v15;
	v17 =	vmul.f32 v17, v15  }
0x150: {  	v21 =	vadd.f32 $-1.344106860e-03, v21;
	v18 =	vmul.f32 v18, v10;
	v19 =	vmul.f32 v19, v10  }
0x151: {  	v22 =	vadd.f32 $-1.344106860e-03, v22;
	v20 =	vmul.f32 v20, v16;
	v7 =	vmul.f32 v7, v14  }
0x152: {  	v21 =	vmul.f32 v21, v16;
	v9 =	vadd.f32 $-1.658384350e-01, v9;
	v17 =	vadd.f32 $4.152230550e-02, v17  }
0x153: {  	v22 =	vmul.f32 v22, v14;
	v18 =	vadd.f32 $-1.658384350e-01, v18;
	v19 =	vadd.f32 $4.152230550e-02, v19  }
0x154: {  	v20 =	vadd.f32 $-1.658384350e-01, v20;
	v7 =	vadd.f32 $-1.658384350e-01, v7;
	v9 =	vmul.f32 v9, v15  }
0x155: {  	v22 =	vadd.f32 $4.152230550e-02, v22;
	v18 =	vmul.f32 v18, v10;
	v17 =	vmul.f32 v17, v15  }
0x156: {  	v21 =	vadd.f32 $4.152230550e-02, v21;
	v19 =	vmul.f32 v19, v10;
	v7 =	vmul.f32 v7, v14  }
0x157: {  	s30 =	sadd.s32 $0x100, s30;
	v22 =	vmul.f32 v22, v14;
	v9 =	vadd.f32 $9.994501470e-01, v9;
	v17 =	vadd.f32 $-4.998376070e-01, v17  }
0x158: {  	v21 =	vmul.f32 v21, v16;
	v18 =	vadd.f32 $9.994501470e-01, v18;
	v19 =	vadd.f32 $-4.998376070e-01, v19;
	v23 =	vld [tilespmem:s30+$0xFFFFFF90]  }
0x159: {  	v20 =	vmul.f32 v20, v16;
	v7 =	vadd.f32 $9.994501470e-01, v7;
	v22 =	vadd.f32 $-4.998376070e-01, v22;
	v24 =	vld [tilespmem:s30+$0xFFFFFFD0]  }
0x15a: {  	v21 =	vadd.f32 $-4.998376070e-01, v21;
	v9 =	vmul.f32 v9, v11;
	v15 =	vmul.f32 v17, v15;
	v25 =	vld [tilespmem:s30+$0xFFFFFFA0]  }
0x15b: {  	v17 =	vadd.f32 $9.994501470e-01, v20;
	v8 =	vmul.f32 v18, v8;
	v11 =	vmul.f32 v22, v14;
	v14 =	vld [tilespmem:s30+$0xFFFFFFE0]  }
0x15c: {  	s31 =	sadd.s32 $0x100, s31;
	v5 =	vadd.f32 v6, v5;
	v7 =	vmul.f32 v7, v12;
	v12 =	vmul.f32 v21, v16;
	v16 =	vld [tilespmem:s30+$0xFFFFFFB0]  }
0x15d: {  	v10 =	vmul.f32 v19, v10;
	v13 =	vmul.f32 v17, v13;
	v11 =	vadd.f32 $9.999710910e-01, v11;
	v6 =	vld [tilespmem:s31+$0xFFFFFF90]  }
0x15e: {  	v12 =	vadd.f32 $9.999710910e-01, v12;
	v17 =	vld [tilespmem:s31+$0xFFFFFFD0];
	v18 =	vmul.f32 v7, v24;
	v7 =	vmul.f32 v7, v23  }
0x15f: {  	v4 =	vand.u32 $0x7FFFFFFF, v4;
	v19 =	vmul.f32 v11, v23;
	v11 =	vmul.f32 v11, v24;
	v20 =	vld [tilespmem:s30+$0xFFFFFFF0]  }
0x160: {  	v4 =	vadd.f32 v5, v4;
	v22 =	vmul.f32 v12, v25;
	v21 =	vld [tilespmem:s31+$0xFFFFFFA0];
	v23 =	vmul.f32 v13, v14  }
0x161: {  	v5 =	vsub.f32 v19, v18;
	v7 =	vadd.f32 v11, v7;
	v11 =	vmul.f32 v13, v25;
	v18 =	vld [tilespmem:s30+$0xFFFFFFC0]  }
0x162: {  	v10 =	vadd.f32 $9.999710910e-01, v10;
	v12 =	vmul.f32 v12, v14;
	v19 =	vld [tilespmem:s31+$0xFFFFFFE0];
	v13 =	vsub.f32 v22, v23;
	(xrf2) =	vadd.scan.msk.f32 $0xffff, v4  }
0x163: {  	v4 =	vsub.f32 v5, v6;
	v6 =	vmul.f32 v8, v16;
	v5 =	vsub.f32 v7, v17;
	v7 =	vld [tilespmem:s30+$0x0]  }
0x164: {  	v12 =	vadd.f32 v12, v11;
	v16 =	vmul.f32 v10, v16;
	v14 =	vld [tilespmem:s31+$0xFFFFFFB0];
	v8 =	vmul.f32 v8, v20  }
0x165: {  	v4 =	vand.u32 $0x7FFFFFFF, v4;
	v11 =	vld [tilespmem:s30+$0xFFFFFF50];
	v5 =	vand.u32 $0x7FFFFFFF, v5;
	v17 =	vsub.f32 v13, v21  }
0x166: {  	v15 =	vadd.f32 $9.999710910e-01, v15;
	v20 =	vmul.f32 v10, v20;
	v4 =	vadd.f32 v5, v4;
	v5 =	vld [tilespmem:s31+$0xFFFFFFF0]  }
0x167: {  	v8 =	vsub.f32 v16, v8;
	v13 =	vld [tilespmem:s30+$0xFFFFFF10];
	v10 =	vand.u32 $0x7FFFFFFF, v17;
	v12 =	vsub.f32 v12, v19  }
0x168: {  	v17 =	vmul.f32 v15, v18;
	v4 =	vadd.f32 v10, v4;
	v16 =	vld [tilespmem:s31+$0xFFFFFFC0];
	v19 =	vmul.f32 v9, v7  }
0x169: {  	v6 =	vadd.f32 v20, v6;
	v10 =	vld [tilespmem:s30+$0xFFFFFF20];
	v12 =	vand.u32 $0x7FFFFFFF, v12;
	v8 =	vsub.f32 v8, v14  }
0x16a: {  	v9 =	vmul.f32 v9, v18;
	v7 =	vmul.f32 v15, v7;
	v20 =	vadd.f32 v4, v12;
	v14 =	vld [tilespmem:s31+$0x0]  }
0x16b: {  	v12 =	vld [tilespmem:s30+$0xFFFFFF60];
	v8 =	vand.u32 $0x7FFFFFFF, v8;
	v5 =	vsub.f32 v6, v5;
	v6 =	vsub.f32 v17, v19  }
0x16c: {  	v18 =	vmul.f32 $1.436156650e+01, v3;
	v17 =	vmul.f32 $1.436156650e+01, v2;
	v15 =	vld [tilespmem:s31+$0xFFFFFF10];
	v2 =	vadd.f32 v8, v20;
	v4, _, _ =	vpop (xrf2)  }
0x16d: {  	v19 =	vld [tilespmem:s31+$0xFFFFFF50];
	v3 =	vand.u32 $0x7FFFFFFF, v5;
	v5 =	vadd.f32 v7, v9;
	v6 =	vsub.f32 v6, v16  }
0x16e: {  	v21 =	vmul.f32 v18, v18;
	v16 =	vmul.f32 v17, v17;
	v20 =	vld [tilespmem:s31+$0xFFFFFF20];
	v7 =	vadd.f32 v2, v3  }
0x16f: {  	v22 =	vmul.f32 $1.436156650e+01, v1;
	v2 =	vld [tilespmem:s30+$0xFFFFFF30];
	v1 =	vand.u32 $0x7FFFFFFF, v6;
	v5 =	vsub.f32 v5, v14  }
0x170: {  	v6 =	vmul.f32 $1.477404440e-04, v16;
	v8 =	vmul.f32 $1.906521540e-05, v16;
	v3 =	vld [tilespmem:s30+$0xFFFFFF70];
	v1 =	vadd.f32 v1, v7  }
0x171: {  	v9 =	vmul.f32 $1.906521540e-05, v21;
	v7 =	vmul.f32 $1.477404440e-04, v21;
	v5 =	vand.u32 $0x7FFFFFFF, v5  }
0x172: {  	v23 =	vmul.f32 v22, v22;
	v14 =	vadd.f32 $-1.344106860e-03, v8;
	v8 =	vld [tilespmem:s31+$0xFFFFFF60];
	v1 =	vadd.f32 v1, v5  }
0x173: {  	v0 =	vmul.f32 $1.436156650e+01, v0;
	v9 =	vadd.f32 $-1.344106860e-03, v9;
	v6 =	vsub.f32 $7.998575460e-03, v6  }
0x174: {  	v24 =	vmul.f32 $1.906521540e-05, v23;
	v7 =	vsub.f32 $7.998575460e-03, v7;
	v14 =	vmul.f32 v14, v16;
	v5 =	vld [tilespmem:s31+$0xFFFFFF30];
	(xrf2) =	vadd.scan.msk.f32 $0xffff, v1  }
0x175: {  	v4 =	vsub.f32 $1.200000000e+01, v4;
	v9 =	vmul.f32 v9, v21;
	v6 =	vmul.f32 v6, v16;
	v1 =	vld [tilespmem:s30+$0xFFFFFF40]  }
0x176: {  	v24 =	vadd.f32 $-1.344106860e-03, v24;
	v25 =	vmul.f32 v7, v21;
	v14 =	vadd.f32 $4.152230550e-02, v14;
	v7 =	vld [tilespmem:s30+$0xFFFFFF80]  }
0x177: {  	v27 =	vmul.f32 $1.477404440e-04, v23;
	v26 =	vadd.f32 $4.152230550e-02, v9;
	v6 =	vadd.f32 $-1.658384350e-01, v6;
	[tilespmem:s0+$0x0] =	vst.msk vm0, v4  }
0x178: {  	v4 =	vmul.f32 v14, v16;
	v14 =	vadd.f32 $-1.658384350e-01, v25;
	v25 =	vmul.f32 v0, v0;
	v9 =	vld [tilespmem:s31+$0xFFFFFF70]  }
0x179: {  	v27 =	vsub.f32 $7.998575460e-03, v27;
	v26 =	vmul.f32 v26, v21;
	v28 =	vmul.f32 v6, v16;
	v6 =	vld [tilespmem:s31+$0xFFFFFF40]  }
0x17a: {  	v24 =	vmul.f32 v24, v23;
	v29 =	vadd.f32 $-4.998376070e-01, v4;
	v30 =	vmul.f32 $1.906521540e-05, v25;
	v4 =	vld [tilespmem:s31+$0xFFFFFF80]  }
0x17b: {  	v31 =	vadd.f32 $-4.998376070e-01, v26;
	v28 =	vadd.f32 $9.994501470e-01, v28;
	v14 =	vmul.f32 v14, v21  }
0x17c: {  	v27 =	vmul.f32 v27, v23;
	v24 =	vadd.f32 $4.152230550e-02, v24;
	v16 =	vmul.f32 v29, v16  }
0x17d: {  	v17 =	vmul.f32 v28, v17;
	v28 =	vmul.f32 $1.477404440e-04, v25;
	v29 =	vadd.f32 $-1.344106860e-03, v30  }
0x17e: {  	v21 =	vmul.f32 v31, v21;
	v14 =	vadd.f32 $9.994501470e-01, v14;
	v16 =	vadd.f32 $9.999710910e-01, v16;
	v26, _, _ =	vpop (xrf2)  }
0x17f: {  	v27 =	vadd.f32 $-1.658384350e-01, v27;
	v24 =	vmul.f32 v24, v23;
	v26 =	vsub.f32 $1.200000000e+01, v26  }
0x180: {  	s0 =	sadd.s32 $0x2, s0;
	v28 =	vsub.f32 $7.998575460e-03, v28;
	v29 =	vmul.f32 v29, v25;
	v30 =	vmul.f32 v16, v13  }
0x181: {  	v31 =	vmul.f32 v17, v11;
	v11 =	vmul.f32 v16, v11;
	v16 =	vadd.f32 $9.999710910e-01, v21;
	[tilespmem:s0+$0x1] =	vst.msk vm0, v26  }
0x182: {  	v14 =	vmul.f32 v14, v18;
	v13 =	vmul.f32 v17, v13;
	v17 =	vadd.f32 $-4.998376070e-01, v24  }
0x183: {  	v18 =	vmul.f32 v27, v23;
	v21 =	vmul.f32 v28, v25;
	v24 =	vadd.f32 $4.152230550e-02, v29  }
0x184: {  	v26 =	vsub.f32 v30, v31;
	v11 =	vadd.f32 v11, v13;
	v13 =	vmul.f32 v16, v10  }
0x185: {  	v27 =	vmul.f32 v14, v12;
	v18 =	vadd.f32 $9.994501470e-01, v18;
	v17 =	vmul.f32 v17, v23  }
0x186: {  	v21 =	vadd.f32 $-1.658384350e-01, v21;
	v23 =	vmul.f32 v24, v25;
	v15 =	vsub.f32 v26, v15  }
0x187: {  	v12 =	vmul.f32 v16, v12;
	v19 =	vsub.f32 v11, v19;
	v13 =	vsub.f32 v13, v27  }
.Ltmp1:
0x188: {  	v14 =	vmul.f32 v14, v10;
	v10 =	vmul.f32 v18, v22;
	v11 =	vadd.f32 $9.999710910e-01, v17;
	(pc) =	sbr.rel @p0 .LBB2_4-.Ltmp1, $4  }
0x189: {  	v18 =	vmul.f32 v21, v25;
	v21 =	vadd.f32 $-4.998376070e-01, v23;
	v15 =	vand.u32 $0x7FFFFFFF, v15  }
0x18a: {  	v12 =	vadd.f32 v12, v14;
	v19 =	vand.u32 $0x7FFFFFFF, v19;
	v20 =	vsub.f32 v13, v20  }
0x18b: {  	v17 =	vmul.f32 v10, v3;
	v16 =	vmul.f32 v11, v2;
	v13 =	vadd.f32 $9.994501470e-01, v18  }
0x18c: {  	s17 =	sadd.s32 $0x80, s17;
	v18 =	vmul.f32 v21, v25;
	v14 =	vadd.f32 v19, v15;
	v15 =	vand.u32 $0x7FFFFFFF, v20  }
0x18d: {  	v8 =	vsub.f32 v12, v8;
	v56 =	vsub.f32 v16, v17;
	v3 =	vmul.f32 v11, v3  }
0x18e: {  	v2 =	vmul.f32 v10, v2;
	v0 =	vmul.f32 v13, v0;
	v57 =	vadd.f32 $9.999710910e-01, v18  }
0x18f: {  	v58 =	vadd.f32 v15, v14;
	v8 =	vand.u32 $0x7FFFFFFF, v8;
	v5 =	vsub.f32 v56, v5  }
0x190: {  	v2 =	vadd.f32 v3, v2;
	v60 =	vmul.f32 v0, v7;
	v59 =	vmul.f32 v57, v1  }
0x191: {  	v0 =	vmul.f32 v0, v1;
	v8 =	vadd.f32 v58, v8;
	v61 =	vmul.f32 v57, v7  }
0x192: {  	v5 =	vand.u32 $0x7FFFFFFF, v5;
	v2 =	vsub.f32 v2, v9;
	v3 =	vsub.f32 v59, v60  }
0x193: {  	v62 =	vadd.f32 v5, v8  }
0x194: {  	v0 =	vadd.f32 v61, v0;
	v2 =	vand.u32 $0x7FFFFFFF, v2;
	v3 =	vsub.f32 v3, v6  }
0x195: {  	v1 =	vadd.f32 v62, v2  }
0x196: {  	v0 =	vsub.f32 v0, v4;
	v63 =	vand.u32 $0x7FFFFFFF, v3  }
0x197: {  	v1 =	vadd.f32 v63, v1  }
0x198: {  	v0 =	vand.u32 $0x7FFFFFFF, v0  }
0x199: {  	v0 =	vadd.f32 v1, v0;
	_ =	sdelay $0x1  }
0x19a: {  	(xrf2) =	vadd.scan.msk.f32 $0xffff, v0;
	_ =	sdelay $0x9  }
0x19b: {  	v0, _, _ =	vpop (xrf2)  }
0x19c: {  	s29 =	sadd.s32 $0x1, s29;
	v0 =	vsub.f32 $1.200000000e+01, v0  }
0x19d: {  	p0 =	sne.s32 s29, s12  }
.Ltmp2:
0x19e: {  	[tilespmem:s0+$0x0] =	vst.msk vm0, v0;
	(pc) =	sbr.rel @p0 .LBB2_1-.Ltmp2, $4  }
0x19f: {  	[hbm4b:s11+s3] =	stream.linear.scatter [tilespmem:s28], [sflag:$0x3], $0x80, $0x38;
	[tilespmem:$0xA210] =	vst v63  }
0x1a0: {  	_ =	swait.ge [sflag:s13], $0x80  }
0x1a1: {  	[sflag:s13] =	ssyncset.done $0x0  }
0x1a2: {  	[sflag:s13] =	ssyncadd.s32 $0xFFFFFF80  }
0x1a3: {  	_ =	sfence.sel $0x180000  }
0x1a4: {  	[bflag:$0x0] =	sbarrier.arrive $0xFFFF  }
0x1a5: {  	_ =	strace $0x90000047  }
0x1a6: {  	s0 =	stileid.u32;
	[bflag:$0x2] =	sbarrier.arrive $0xFFFF  }
0x1a7: {  	p0 =	sne.s32 s0, $0x0;
	s0 =	rddreg [dreg:$0x6]  }
0x1a8: {  	s0 =	sadd.s32 @!p0 $0x100000, s0  }
0x1a9: {  	[sflag:s0] =	ssyncadd.tile.s32 @!p0 $0x1;
	_ =	shalt  }
.Lfunc_end2:
_tile_overlayer_lowered:
.L_overlay_start_2:
0x1aa: {  	(tag) =	ssettag $0x2  }
0x1ab: {  	s0 =	rddreg [dreg:$0x0];
	s2 =	stileid.u32  }
0x1ac: {  	s1 =	rddreg [dreg:$0x1];
	p0 =	sne.s32 s2, $0x0  }
0x1ad: {  	s3 =	rddreg [dreg:$0x2];
	[bflag:$0x3] =	sbarrier.arrive $0xFFFF;
	s2 =	simm.s32 @!p0 $0x1C03  }
0x1ae: {  	[timem:s3], [sflag:s2] =	dma.local @!p0 [hbm:s0], s1  }
0x1af: {  	s0 =	simm.s32 @!p0 $0x3  }
0x1b0: {  	_ =	swait.ge @!p0 [sflag:s0], s1  }
0x1b1: {  	s1 =	ssub.s32 @!p0 $0x0, s1;
	[sflag:s0] =	ssyncset.done @!p0 $0x0  }
0x1b2: {  	[sflag:s0] =	ssyncadd.s32 @!p0 s1  }
0x1b3: {  	[bflag:$0x3] =	sbarrier.arrive $0xFFFF  }
0x1b4: {  	_ =	shalt  }

</sc_bundles>
